<compile_context>
chip_gen: v7x
topology: tpu7x:2x2x1
jax: 0.10.2.dev20260603
libtpu: 0.0.44.dev20260713+nightly
codegen_flags: <defaults>
</compile_context>

<pallas_src>
import functools

import jax
import jax.numpy as jnp
from jax import lax
from jax.experimental import pallas as pl
from jax.experimental.pallas import tpu as pltpu
from jax.experimental.pallas import tpu_sc as plsc

_CB = 8
_NBUF = 2
_LANE = 16


@functools.lru_cache(maxsize=None)
def _fused_call(V, D, B, F, NC, NS):
    NW = NC * NS
    n_e = B // NW
    n_s = n_e // _CB
    nouter = (n_s + _NBUF - 1) // _NBUF
    RP = ((V + NS - 1) // NS + 7) // 8 * 8
    VL = V - (NS - 1) * RP
    assert B % NW == 0 and n_e % _CB == 0 and n_s >= _NBUF
    assert 0 < VL <= RP and VL % 8 == 0 and D % _LANE == 0
    mesh = plsc.VectorSubcoreMesh(core_axis_name="c", subcore_axis_name="s")

    @functools.partial(
        pl.kernel,
        mesh=mesh,
        out_type=jax.ShapeDtypeStruct((B, F, D), jnp.float32),
        scratch_types=(
            [
                pltpu.VMEM_SHARED((NS * RP, D), jnp.float32),
                pltpu.VMEM((n_e, F), jnp.int32),
                pltpu.VMEM((RP, D), jnp.float32),
                pltpu.VMEM((RP, 1), jnp.float32),
                pltpu.VMEM((1, D), jnp.float32),
                pltpu.VMEM((1, D), jnp.float32),
            ]
            + [pltpu.VMEM((_CB, F, D), jnp.float32) for _ in range(_NBUF)]
            + [pltpu.SemaphoreType.DMA]
            + [pltpu.SemaphoreType.DMA for _ in range(2 * _NBUF)]
        ),
    )
    def fused_k(e_hbm, l_hbm, h_hbm, r_hbm, idx_hbm, out_hbm,
                table_sp, idx_v, w_v, r_v, l_v, h_v, *rest):
        bufs = rest[:_NBUF]
        isem = rest[_NBUF]
        gsems = rest[_NBUF + 1:_NBUF + 1 + _NBUF]
        wsems = rest[_NBUF + 1 + _NBUF:]
        cid = lax.axis_index("c")
        sid = lax.axis_index("s")
        wid = sid * NC + cid
        e0 = wid * n_e

        pltpu.async_copy(idx_hbm.at[pl.ds(e0, n_e)], idx_v, isem)

        row0 = sid * RP

        @pl.when(sid < NS - 1)
        def _():
            pltpu.sync_copy(e_hbm.at[pl.ds(row0, RP)], w_v)
            pltpu.sync_copy(r_hbm.at[pl.ds(row0, RP)], r_v)

        @pl.when(sid == NS - 1)
        def _():
            pltpu.sync_copy(e_hbm.at[pl.ds((NS - 1) * RP, VL)],
                            w_v.at[pl.ds(0, VL)])
            pltpu.sync_copy(r_hbm.at[pl.ds((NS - 1) * RP, VL)],
                            r_v.at[pl.ds(0, VL)])
        pltpu.sync_copy(l_hbm, l_v)
        pltpu.sync_copy(h_hbm, h_v)

        def row_body(i, carry):
            r_s = r_v[i, :][0]
            for k in range(D // _LANE):
                d = pl.ds(k * _LANE, _LANE)
                lk = l_v[0, d]
                hk = h_v[0, d]
                w_v[i, d] = r_s * (lk - hk) + hk + w_v[i, d]
            return carry

        lax.fori_loop(0, RP, row_body, 0)
        pltpu.sync_copy(w_v, table_sp.at[pl.ds(row0, RP)])
        plsc.subcore_barrier()

        pltpu.make_async_copy(idx_hbm.at[pl.ds(0, n_e)], idx_v, isem).wait()

        def gathers(s, b):
            for ci in range(_CB):
                pltpu.async_copy(
                    table_sp.at[idx_v.at[s * _CB + ci]], bufs[b].at[ci],
                    gsems[b])

        def drain_write(s, b):
            for ci in range(_CB):
                pltpu.make_async_copy(
                    table_sp.at[idx_v.at[0]], bufs[b].at[ci], gsems[b]).wait()
            pltpu.async_copy(
                bufs[b], out_hbm.at[pl.ds(e0 + s * _CB, _CB)], wsems[b])

        def wait_write(b):
            pltpu.make_async_copy(
                bufs[b], out_hbm.at[pl.ds(0, _CB)], wsems[b]).wait()

        gathers(0, 0)

        def body(i, carry):
            for pos in range(_NBUF):
                s = i * _NBUF + pos + 1
                b = (pos + 1) % _NBUF
                bprev = pos % _NBUF

                @pl.when(jnp.logical_and(s >= _NBUF, s < n_s))
                def _():
                    wait_write(b)

                @pl.when(s < n_s)
                def _():
                    gathers(s, b)

                @pl.when(s - 1 < n_s)
                def _():
                    drain_write(s - 1, bprev)
            return carry

        lax.fori_loop(0, nouter, body, 0)
        for b in range(_NBUF):
            wait_write(b)

    return fused_k


def kernel(idx, E, l, h, r):
    B, F = idx.shape
    V, D = E.shape
    info = plsc.get_sparse_core_info()
    NC, NS = info.num_cores, info.num_subcores
    return _fused_call(V, D, B, F, NC, NS)(
        E, l, h, r, idx.astype(jnp.int32))

# --- scband reference (transcript-rebuilt; emitter-appended) ---
"""Pipeline reference for scband-ordered-embedding-86612310491642 (READ-ONLY COPY).

The authoritative reference and input builder live on the scoring server;
editing this copy changes nothing except your own understanding.
"""

import jax, jax.numpy as jnp
import numpy as np

VOCAB = 1000
D_MODEL = 128
BATCH = 4096
FIELDS = 26


def setup_inputs(seed: int = 0) -> dict:
    key = jax.random.key(seed)
    k1, k2, k3 = jax.random.split(key, 3)
    idx = jax.random.randint(k1, (BATCH, FIELDS), 0, VOCAB)
    # Learned / buffer parameters per OrderedEmbedding.__init__
    E = jnp.zeros((VOCAB, D_MODEL), dtype=jnp.float32)  # nn.Parameter init to zeros
    l = (jax.random.normal(k2, (D_MODEL,), dtype=jnp.float32) * 0.05)[None, :]  # [1, d_model]
    h = (jax.random.normal(k3, (D_MODEL,), dtype=jnp.float32) * 0.05)[None, :]  # [1, d_model]
    occ = jnp.arange(VOCAB, dtype=jnp.float32)  # monotone occurrence counts (matches init_kwargs occ)
    r = ((occ - occ[0]) / (occ[-1] - occ[0]))[:, None]  # [vocab, 1]
    return {"idx": idx, "E": E, "l": l, "h": h, "r": r}


def reference(idx, E, l, h, r):
    # weight = r * l + (1 - r) * h + E   (the @property weight)
    weight = r * l + (1.0 - r) * h + E
    # forward: weight[idx, :] -> gather rows
    return jnp.take(weight, idx, axis=0)

if __name__ == "__main__":
    import jax
    _d = setup_inputs()
    print(jax.jit(kernel)(*tuple(_d.values())))

</pallas_src>

<mosaic_0001>
#map = affine_map<(d0, d1) -> (0, 0)>
#map1 = affine_map<(d0, d1) -> (0, 0, 0)>
module attributes {stable_mosaic.version = 14 : i64} {
  func.func @fused_k(%arg0: i32, %arg1: i32, %arg2: memref<1000x128xf32, #tpu.memory_space<hbm>>, %arg3: memref<1x128xf32, #tpu.memory_space<hbm>>, %arg4: memref<1x128xf32, #tpu.memory_space<hbm>>, %arg5: memref<1000x1xf32, #tpu.memory_space<hbm>>, %arg6: memref<4096x26xi32, #tpu.memory_space<hbm>>, %arg7: memref<4096x26x128xf32, #tpu.memory_space<hbm>>, %arg8: memref<1024x128xf32, #tpu.memory_space<vmem_shared>>, %arg9: memref<128x26xi32, #tpu.memory_space<vmem>>, %arg10: memref<64x128xf32, #tpu.memory_space<vmem>>, %arg11: memref<64x1xf32, #tpu.memory_space<vmem>>, %arg12: memref<1x128xf32, #tpu.memory_space<vmem>>, %arg13: memref<1x128xf32, #tpu.memory_space<vmem>>, %arg14: memref<8x26x128xf32, #tpu.memory_space<vmem>>, %arg15: memref<8x26x128xf32, #tpu.memory_space<vmem>>, %arg16: memref<!tpu.dma_semaphore, #tpu.memory_space<semaphore_mem>>, %arg17: memref<!tpu.dma_semaphore, #tpu.memory_space<semaphore_mem>>, %arg18: memref<!tpu.dma_semaphore, #tpu.memory_space<semaphore_mem>>, %arg19: memref<!tpu.dma_semaphore, #tpu.memory_space<semaphore_mem>>, %arg20: memref<!tpu.dma_semaphore, #tpu.memory_space<semaphore_mem>>) attributes {dimension_semantics = [#tpu.dimension_semantics<core_parallel>, #tpu.dimension_semantics<subcore_parallel>], iteration_bounds = array<i64: 2, 16>, scalar_prefetch = 0 : i64, scratch_operands = 13 : i64, tpu.core_type = #tpu.core_type<sc_vector_subcore>, window_params = [{transform_indices = #map}, {transform_indices = #map}, {transform_indices = #map}, {transform_indices = #map}, {transform_indices = #map}, {transform_indices = #map1}]} {
    %mul3A = arith.constant 2 : i32
    %mul3A_0 = arith.muli %arg1, %mul3A : i32
    %add3A = arith.addi %mul3A_0, %arg0 : i32
    %mul3A_1 = arith.constant 128 : i32
    %mul3A_2 = arith.muli %add3A, %mul3A_1 : i32
    %dma_start3A = arith.constant 0 : i32
    %dma_start3A_3 = tpu.memref_slice %arg6[%mul3A_2, %dma_start3A] : memref<4096x26xi32, #tpu.memory_space<hbm>> -> memref<128x26xi32, #tpu.memory_space<hbm>>
    %dma_start3A_4 = arith.constant 0 : i32
    %dma_start3A_5 = tpu.memref_slice %arg6[%mul3A_2, %dma_start3A_4] : memref<4096x26xi32, #tpu.memory_space<hbm>> -> memref<128x26xi32, #tpu.memory_space<hbm>>
    tpu.enqueue_dma source(%dma_start3A_5 : memref<128x26xi32, #tpu.memory_space<hbm>>) target(%arg9 : memref<128x26xi32, #tpu.memory_space<vmem>>) target_semaphore(%arg16 : memref<!tpu.dma_semaphore, #tpu.memory_space<semaphore_mem>>)
    %mul3A_6 = arith.constant 64 : i32
    %mul3A_7 = arith.muli %arg1, %mul3A_6 : i32
    %lt3A = arith.constant 15 : i32
    %lt3A_8 = arith.cmpi slt, %arg1, %lt3A : i32
    %convert_element_type3A = arith.extui %lt3A_8 : i1 to i32
    %cond3A = arith.constant 0 : i32
    %cond3A_9 = arith.cmpi ne, %convert_element_type3A, %cond3A : i32
    scf.if %cond3A_9 {
      "tpu.region"() ({
        %run_scoped3A = tpu.sem_alloc : memref<!tpu.dma_semaphore, #tpu.memory_space<semaphore_mem>>
        %dma_start3A_142 = arith.constant 0 : i32
        %dma_start3A_143 = tpu.memref_slice %arg2[%mul3A_7, %dma_start3A_142] : memref<1000x128xf32, #tpu.memory_space<hbm>> -> memref<64x128xf32, #tpu.memory_space<hbm>>
        %dma_start3A_144 = arith.constant 0 : i32
        %dma_start3A_145 = tpu.memref_slice %arg2[%mul3A_7, %dma_start3A_144] : memref<1000x128xf32, #tpu.memory_space<hbm>> -> memref<64x128xf32, #tpu.memory_space<hbm>>
        tpu.enqueue_dma source(%dma_start3A_145 : memref<64x128xf32, #tpu.memory_space<hbm>>) target(%arg10 : memref<64x128xf32, #tpu.memory_space<vmem>>) target_semaphore(%run_scoped3A : memref<!tpu.dma_semaphore, #tpu.memory_space<semaphore_mem>>)
        %dma_wait3A_146 = arith.constant 0 : i32
        %dma_wait3A_147 = tpu.memref_slice %arg2[%mul3A_7, %dma_wait3A_146] : memref<1000x128xf32, #tpu.memory_space<hbm>> -> memref<64x128xf32, #tpu.memory_space<hbm>>
        %dma_wait3A_148 = arith.constant 0 : i32
        %dma_wait3A_149 = tpu.memref_slice %arg2[%mul3A_7, %dma_wait3A_148] : memref<1000x128xf32, #tpu.memory_space<hbm>> -> memref<64x128xf32, #tpu.memory_space<hbm>>
        tpu.wait_dma2 semaphore(%run_scoped3A : memref<!tpu.dma_semaphore, #tpu.memory_space<semaphore_mem>>) src(%dma_wait3A_149 : memref<64x128xf32, #tpu.memory_space<hbm>>) dst(%arg10 : memref<64x128xf32, #tpu.memory_space<vmem>>)
        tpu.yield
      }) : () -> ()
      "tpu.region"() ({
        %run_scoped3A = tpu.sem_alloc : memref<!tpu.dma_semaphore, #tpu.memory_space<semaphore_mem>>
        %dma_start3A_142 = arith.constant 0 : i32
        %dma_start3A_143 = tpu.memref_slice %arg5[%mul3A_7, %dma_start3A_142] : memref<1000x1xf32, #tpu.memory_space<hbm>> -> memref<64x1xf32, #tpu.memory_space<hbm>>
        %dma_start3A_144 = arith.constant 0 : i32
        %dma_start3A_145 = tpu.memref_slice %arg5[%mul3A_7, %dma_start3A_144] : memref<1000x1xf32, #tpu.memory_space<hbm>> -> memref<64x1xf32, #tpu.memory_space<hbm>>
        tpu.enqueue_dma source(%dma_start3A_145 : memref<64x1xf32, #tpu.memory_space<hbm>>) target(%arg11 : memref<64x1xf32, #tpu.memory_space<vmem>>) target_semaphore(%run_scoped3A : memref<!tpu.dma_semaphore, #tpu.memory_space<semaphore_mem>>)
        %dma_wait3A_146 = arith.constant 0 : i32
        %dma_wait3A_147 = tpu.memref_slice %arg5[%mul3A_7, %dma_wait3A_146] : memref<1000x1xf32, #tpu.memory_space<hbm>> -> memref<64x1xf32, #tpu.memory_space<hbm>>
        %dma_wait3A_148 = arith.constant 0 : i32
        %dma_wait3A_149 = tpu.memref_slice %arg5[%mul3A_7, %dma_wait3A_148] : memref<1000x1xf32, #tpu.memory_space<hbm>> -> memref<64x1xf32, #tpu.memory_space<hbm>>
        tpu.wait_dma2 semaphore(%run_scoped3A : memref<!tpu.dma_semaphore, #tpu.memory_space<semaphore_mem>>) src(%dma_wait3A_149 : memref<64x1xf32, #tpu.memory_space<hbm>>) dst(%arg11 : memref<64x1xf32, #tpu.memory_space<vmem>>)
        tpu.yield
      }) : () -> ()
    } else {
    }
    %eq3A = arith.constant 15 : i32
    %eq3A_10 = arith.cmpi eq, %arg1, %eq3A : i32
    %convert_element_type3A_11 = arith.extui %eq3A_10 : i1 to i32
    %cond3A_12 = arith.constant 0 : i32
    %cond3A_13 = arith.cmpi ne, %convert_element_type3A_11, %cond3A_12 : i32
    scf.if %cond3A_13 {
      "tpu.region"() ({
        %run_scoped3A = tpu.sem_alloc : memref<!tpu.dma_semaphore, #tpu.memory_space<semaphore_mem>>
        %dma_start3A_142 = arith.constant 0 : i32
        %dma_start3A_143 = arith.constant 0 : i32
        %dma_start3A_144 = tpu.memref_slice %arg10[%dma_start3A_142, %dma_start3A_143] : memref<64x128xf32, #tpu.memory_space<vmem>> -> memref<40x128xf32, #tpu.memory_space<vmem>>
        %dma_start3A_145 = arith.constant 960 : i32
        %dma_start3A_146 = arith.constant 0 : i32
        %dma_start3A_147 = tpu.memref_slice %arg2[%dma_start3A_145, %dma_start3A_146] : memref<1000x128xf32, #tpu.memory_space<hbm>> -> memref<40x128xf32, #tpu.memory_space<hbm>>
        %dma_start3A_148 = arith.constant 0 : i32
        %dma_start3A_149 = arith.constant 0 : i32
        %dma_start3A_150 = tpu.memref_slice %arg10[%dma_start3A_148, %dma_start3A_149] : memref<64x128xf32, #tpu.memory_space<vmem>> -> memref<40x128xf32, #tpu.memory_space<vmem>>
        %dma_start3A_151 = arith.constant 960 : i32
        %dma_start3A_152 = arith.constant 0 : i32
        %dma_start3A_153 = tpu.memref_slice %arg2[%dma_start3A_151, %dma_start3A_152] : memref<1000x128xf32, #tpu.memory_space<hbm>> -> memref<40x128xf32, #tpu.memory_space<hbm>>
        tpu.enqueue_dma source(%dma_start3A_153 : memref<40x128xf32, #tpu.memory_space<hbm>>) target(%dma_start3A_150 : memref<40x128xf32, #tpu.memory_space<vmem>>) target_semaphore(%run_scoped3A : memref<!tpu.dma_semaphore, #tpu.memory_space<semaphore_mem>>)
        %dma_wait3A_154 = arith.constant 0 : i32
        %dma_wait3A_155 = arith.constant 0 : i32
        %dma_wait3A_156 = tpu.memref_slice %arg10[%dma_wait3A_154, %dma_wait3A_155] : memref<64x128xf32, #tpu.memory_space<vmem>> -> memref<40x128xf32, #tpu.memory_space<vmem>>
        %dma_wait3A_157 = arith.constant 960 : i32
        %dma_wait3A_158 = arith.constant 0 : i32
        %dma_wait3A_159 = tpu.memref_slice %arg2[%dma_wait3A_157, %dma_wait3A_158] : memref<1000x128xf32, #tpu.memory_space<hbm>> -> memref<40x128xf32, #tpu.memory_space<hbm>>
        %dma_wait3A_160 = arith.constant 0 : i32
        %dma_wait3A_161 = arith.constant 0 : i32
        %dma_wait3A_162 = tpu.memref_slice %arg10[%dma_wait3A_160, %dma_wait3A_161] : memref<64x128xf32, #tpu.memory_space<vmem>> -> memref<40x128xf32, #tpu.memory_space<vmem>>
        %dma_wait3A_163 = arith.constant 960 : i32
        %dma_wait3A_164 = arith.constant 0 : i32
        %dma_wait3A_165 = tpu.memref_slice %arg2[%dma_wait3A_163, %dma_wait3A_164] : memref<1000x128xf32, #tpu.memory_space<hbm>> -> memref<40x128xf32, #tpu.memory_space<hbm>>
        tpu.wait_dma2 semaphore(%run_scoped3A : memref<!tpu.dma_semaphore, #tpu.memory_space<semaphore_mem>>) src(%dma_wait3A_165 : memref<40x128xf32, #tpu.memory_space<hbm>>) dst(%dma_wait3A_162 : memref<40x128xf32, #tpu.memory_space<vmem>>)
        tpu.yield
      }) : () -> ()
      "tpu.region"() ({
        %run_scoped3A = tpu.sem_alloc : memref<!tpu.dma_semaphore, #tpu.memory_space<semaphore_mem>>
        %dma_start3A_142 = arith.constant 0 : i32
        %dma_start3A_143 = arith.constant 0 : i32
        %dma_start3A_144 = tpu.memref_slice %arg11[%dma_start3A_142, %dma_start3A_143] : memref<64x1xf32, #tpu.memory_space<vmem>> -> memref<40x1xf32, #tpu.memory_space<vmem>>
        %dma_start3A_145 = arith.constant 960 : i32
        %dma_start3A_146 = arith.constant 0 : i32
        %dma_start3A_147 = tpu.memref_slice %arg5[%dma_start3A_145, %dma_start3A_146] : memref<1000x1xf32, #tpu.memory_space<hbm>> -> memref<40x1xf32, #tpu.memory_space<hbm>>
        %dma_start3A_148 = arith.constant 0 : i32
        %dma_start3A_149 = arith.constant 0 : i32
        %dma_start3A_150 = tpu.memref_slice %arg11[%dma_start3A_148, %dma_start3A_149] : memref<64x1xf32, #tpu.memory_space<vmem>> -> memref<40x1xf32, #tpu.memory_space<vmem>>
        %dma_start3A_151 = arith.constant 960 : i32
        %dma_start3A_152 = arith.constant 0 : i32
        %dma_start3A_153 = tpu.memref_slice %arg5[%dma_start3A_151, %dma_start3A_152] : memref<1000x1xf32, #tpu.memory_space<hbm>> -> memref<40x1xf32, #tpu.memory_space<hbm>>
        tpu.enqueue_dma source(%dma_start3A_153 : memref<40x1xf32, #tpu.memory_space<hbm>>) target(%dma_start3A_150 : memref<40x1xf32, #tpu.memory_space<vmem>>) target_semaphore(%run_scoped3A : memref<!tpu.dma_semaphore, #tpu.memory_space<semaphore_mem>>)
        %dma_wait3A_154 = arith.constant 0 : i32
        %dma_wait3A_155 = arith.constant 0 : i32
        %dma_wait3A_156 = tpu.memref_slice %arg11[%dma_wait3A_154, %dma_wait3A_155] : memref<64x1xf32, #tpu.memory_space<vmem>> -> memref<40x1xf32, #tpu.memory_space<vmem>>
        %dma_wait3A_157 = arith.constant 960 : i32
        %dma_wait3A_158 = arith.constant 0 : i32
        %dma_wait3A_159 = tpu.memref_slice %arg5[%dma_wait3A_157, %dma_wait3A_158] : memref<1000x1xf32, #tpu.memory_space<hbm>> -> memref<40x1xf32, #tpu.memory_space<hbm>>
        %dma_wait3A_160 = arith.constant 0 : i32
        %dma_wait3A_161 = arith.constant 0 : i32
        %dma_wait3A_162 = tpu.memref_slice %arg11[%dma_wait3A_160, %dma_wait3A_161] : memref<64x1xf32, #tpu.memory_space<vmem>> -> memref<40x1xf32, #tpu.memory_space<vmem>>
        %dma_wait3A_163 = arith.constant 960 : i32
        %dma_wait3A_164 = arith.constant 0 : i32
        %dma_wait3A_165 = tpu.memref_slice %arg5[%dma_wait3A_163, %dma_wait3A_164] : memref<1000x1xf32, #tpu.memory_space<hbm>> -> memref<40x1xf32, #tpu.memory_space<hbm>>
        tpu.wait_dma2 semaphore(%run_scoped3A : memref<!tpu.dma_semaphore, #tpu.memory_space<semaphore_mem>>) src(%dma_wait3A_165 : memref<40x1xf32, #tpu.memory_space<hbm>>) dst(%dma_wait3A_162 : memref<40x1xf32, #tpu.memory_space<vmem>>)
        tpu.yield
      }) : () -> ()
    } else {
    }
    "tpu.region"() ({
      %run_scoped3A = tpu.sem_alloc : memref<!tpu.dma_semaphore, #tpu.memory_space<semaphore_mem>>
      tpu.enqueue_dma source(%arg3 : memref<1x128xf32, #tpu.memory_space<hbm>>) target(%arg12 : memref<1x128xf32, #tpu.memory_space<vmem>>) target_semaphore(%run_scoped3A : memref<!tpu.dma_semaphore, #tpu.memory_space<semaphore_mem>>)
      tpu.wait_dma2 semaphore(%run_scoped3A : memref<!tpu.dma_semaphore, #tpu.memory_space<semaphore_mem>>) src(%arg3 : memref<1x128xf32, #tpu.memory_space<hbm>>) dst(%arg12 : memref<1x128xf32, #tpu.memory_space<vmem>>)
      tpu.yield
    }) : () -> ()
    "tpu.region"() ({
      %run_scoped3A = tpu.sem_alloc : memref<!tpu.dma_semaphore, #tpu.memory_space<semaphore_mem>>
      tpu.enqueue_dma source(%arg4 : memref<1x128xf32, #tpu.memory_space<hbm>>) target(%arg13 : memref<1x128xf32, #tpu.memory_space<vmem>>) target_semaphore(%run_scoped3A : memref<!tpu.dma_semaphore, #tpu.memory_space<semaphore_mem>>)
      tpu.wait_dma2 semaphore(%run_scoped3A : memref<!tpu.dma_semaphore, #tpu.memory_space<semaphore_mem>>) src(%arg4 : memref<1x128xf32, #tpu.memory_space<hbm>>) dst(%arg13 : memref<1x128xf32, #tpu.memory_space<vmem>>)
      tpu.yield
    }) : () -> ()
    %scan3A = arith.constant 0 : i32
    %scan3A_14 = arith.constant 0 : i32
    %scan3A_15 = arith.constant 64 : i32
    %scan3A_16 = arith.addi %scan3A_14, %scan3A_15 : i32
    %scan3A_17 = arith.constant 1 : i32
    scf.for %scan3A_142 = %scan3A_14 to %scan3A_16 step %scan3A_17  : i32 {
      %get3A = arith.index_cast %scan3A_142 : i32 to index
      %get3A_143 = arith.constant 0 : index
      %get3A_144 = tpu.vector_load %arg11[%get3A, %get3A_143] {strides = array<i32>} : memref<64x1xf32, #tpu.memory_space<vmem>>, vector<1x1xf32>,
      %get3A_145 = vector.shape_cast %get3A_144 : vector<1x1xf32> to vector<1xf32>
      %squeeze3A = vector.extract %get3A_145[0] : f32 from vector<1xf32>
      %get3A_146 = arith.constant 0 : i32
      %get3A_147 = arith.index_cast %get3A_146 : i32 to index
      %get3A_148 = arith.constant 0 : index
      %get3A_149 = tpu.vector_load %arg12[%get3A_147, %get3A_148] {strides = array<i32>} : memref<1x128xf32, #tpu.memory_space<vmem>>, vector<1x16xf32>,
      %get3A_150 = vector.shape_cast %get3A_149 : vector<1x16xf32> to vector<16xf32>
      %get3A_151 = arith.constant 0 : i32
      %get3A_152 = arith.index_cast %get3A_151 : i32 to index
      %get3A_153 = arith.constant 0 : index
      %get3A_154 = tpu.vector_load %arg13[%get3A_152, %get3A_153] {strides = array<i32>} : memref<1x128xf32, #tpu.memory_space<vmem>>, vector<1x16xf32>,
      %get3A_155 = vector.shape_cast %get3A_154 : vector<1x16xf32> to vector<16xf32>
      %sub3A = arith.subf %get3A_150, %get3A_155 : vector<16xf32>
      %mul3A_156 = vector.broadcast %squeeze3A : f32 to vector<16xf32>
      %mul3A_157 = arith.mulf %mul3A_156, %sub3A : vector<16xf32>
      %add3A_158 = arith.addf %mul3A_157, %get3A_155 : vector<16xf32>
      %get3A_159 = arith.index_cast %scan3A_142 : i32 to index
      %get3A_160 = arith.constant 0 : index
      %get3A_161 = tpu.vector_load %arg10[%get3A_159, %get3A_160] {strides = array<i32>} : memref<64x128xf32, #tpu.memory_space<vmem>>, vector<1x16xf32>,
      %get3A_162 = vector.shape_cast %get3A_161 : vector<1x16xf32> to vector<16xf32>
      %add3A_163 = arith.addf %add3A_158, %get3A_162 : vector<16xf32>
      %swap3A = arith.index_cast %scan3A_142 : i32 to index
      %swap3A_164 = arith.constant 0 : index
      %swap3A_165 = tpu.vector_load %arg10[%swap3A, %swap3A_164] {strides = array<i32>} : memref<64x128xf32, #tpu.memory_space<vmem>>, vector<1x16xf32>,
      %swap3A_166 = vector.shape_cast %swap3A_165 : vector<1x16xf32> to vector<16xf32>
      %swap3A_167 = vector.shape_cast %add3A_163 : vector<16xf32> to vector<1x16xf32>
      tpu.vector_store %arg10[%swap3A, %swap3A_164], %swap3A_167 {strides = array<i32>} : memref<64x128xf32, #tpu.memory_space<vmem>>, vector<1x16xf32>,
      %get3A_168 = arith.constant 0 : i32
      %get3A_169 = arith.index_cast %get3A_168 : i32 to index
      %get3A_170 = arith.constant 16 : index
      %get3A_171 = tpu.vector_load %arg12[%get3A_169, %get3A_170] {strides = array<i32>} : memref<1x128xf32, #tpu.memory_space<vmem>>, vector<1x16xf32>,
      %get3A_172 = vector.shape_cast %get3A_171 : vector<1x16xf32> to vector<16xf32>
      %get3A_173 = arith.constant 0 : i32
      %get3A_174 = arith.index_cast %get3A_173 : i32 to index
      %get3A_175 = arith.constant 16 : index
      %get3A_176 = tpu.vector_load %arg13[%get3A_174, %get3A_175] {strides = array<i32>} : memref<1x128xf32, #tpu.memory_space<vmem>>, vector<1x16xf32>,
      %get3A_177 = vector.shape_cast %get3A_176 : vector<1x16xf32> to vector<16xf32>
      %sub3A_178 = arith.subf %get3A_172, %get3A_177 : vector<16xf32>
      %mul3A_179 = vector.broadcast %squeeze3A : f32 to vector<16xf32>
      %mul3A_180 = arith.mulf %mul3A_179, %sub3A_178 : vector<16xf32>
      %add3A_181 = arith.addf %mul3A_180, %get3A_177 : vector<16xf32>
      %get3A_182 = arith.index_cast %scan3A_142 : i32 to index
      %get3A_183 = arith.constant 16 : index
      %get3A_184 = tpu.vector_load %arg10[%get3A_182, %get3A_183] {strides = array<i32>} : memref<64x128xf32, #tpu.memory_space<vmem>>, vector<1x16xf32>,
      %get3A_185 = vector.shape_cast %get3A_184 : vector<1x16xf32> to vector<16xf32>
      %add3A_186 = arith.addf %add3A_181, %get3A_185 : vector<16xf32>
      %swap3A_187 = arith.index_cast %scan3A_142 : i32 to index
      %swap3A_188 = arith.constant 16 : index
      %swap3A_189 = tpu.vector_load %arg10[%swap3A_187, %swap3A_188] {strides = array<i32>} : memref<64x128xf32, #tpu.memory_space<vmem>>, vector<1x16xf32>,
      %swap3A_190 = vector.shape_cast %swap3A_189 : vector<1x16xf32> to vector<16xf32>
      %swap3A_191 = vector.shape_cast %add3A_186 : vector<16xf32> to vector<1x16xf32>
      tpu.vector_store %arg10[%swap3A_187, %swap3A_188], %swap3A_191 {strides = array<i32>} : memref<64x128xf32, #tpu.memory_space<vmem>>, vector<1x16xf32>,
      %get3A_192 = arith.constant 0 : i32
      %get3A_193 = arith.index_cast %get3A_192 : i32 to index
      %get3A_194 = arith.constant 32 : index
      %get3A_195 = tpu.vector_load %arg12[%get3A_193, %get3A_194] {strides = array<i32>} : memref<1x128xf32, #tpu.memory_space<vmem>>, vector<1x16xf32>,
      %get3A_196 = vector.shape_cast %get3A_195 : vector<1x16xf32> to vector<16xf32>
      %get3A_197 = arith.constant 0 : i32
      %get3A_198 = arith.index_cast %get3A_197 : i32 to index
      %get3A_199 = arith.constant 32 : index
      %get3A_200 = tpu.vector_load %arg13[%get3A_198, %get3A_199] {strides = array<i32>} : memref<1x128xf32, #tpu.memory_space<vmem>>, vector<1x16xf32>,
      %get3A_201 = vector.shape_cast %get3A_200 : vector<1x16xf32> to vector<16xf32>
      %sub3A_202 = arith.subf %get3A_196, %get3A_201 : vector<16xf32>
      %mul3A_203 = vector.broadcast %squeeze3A : f32 to vector<16xf32>
      %mul3A_204 = arith.mulf %mul3A_203, %sub3A_202 : vector<16xf32>
      %add3A_205 = arith.addf %mul3A_204, %get3A_201 : vector<16xf32>
      %get3A_206 = arith.index_cast %scan3A_142 : i32 to index
      %get3A_207 = arith.constant 32 : index
      %get3A_208 = tpu.vector_load %arg10[%get3A_206, %get3A_207] {strides = array<i32>} : memref<64x128xf32, #tpu.memory_space<vmem>>, vector<1x16xf32>,
      %get3A_209 = vector.shape_cast %get3A_208 : vector<1x16xf32> to vector<16xf32>
      %add3A_210 = arith.addf %add3A_205, %get3A_209 : vector<16xf32>
      %swap3A_211 = arith.index_cast %scan3A_142 : i32 to index
      %swap3A_212 = arith.constant 32 : index
      %swap3A_213 = tpu.vector_load %arg10[%swap3A_211, %swap3A_212] {strides = array<i32>} : memref<64x128xf32, #tpu.memory_space<vmem>>, vector<1x16xf32>,
      %swap3A_214 = vector.shape_cast %swap3A_213 : vector<1x16xf32> to vector<16xf32>
      %swap3A_215 = vector.shape_cast %add3A_210 : vector<16xf32> to vector<1x16xf32>
      tpu.vector_store %arg10[%swap3A_211, %swap3A_212], %swap3A_215 {strides = array<i32>} : memref<64x128xf32, #tpu.memory_space<vmem>>, vector<1x16xf32>,
      %get3A_216 = arith.constant 0 : i32
      %get3A_217 = arith.index_cast %get3A_216 : i32 to index
      %get3A_218 = arith.constant 48 : index
      %get3A_219 = tpu.vector_load %arg12[%get3A_217, %get3A_218] {strides = array<i32>} : memref<1x128xf32, #tpu.memory_space<vmem>>, vector<1x16xf32>,
      %get3A_220 = vector.shape_cast %get3A_219 : vector<1x16xf32> to vector<16xf32>
      %get3A_221 = arith.constant 0 : i32
      %get3A_222 = arith.index_cast %get3A_221 : i32 to index
      %get3A_223 = arith.constant 48 : index
      %get3A_224 = tpu.vector_load %arg13[%get3A_222, %get3A_223] {strides = array<i32>} : memref<1x128xf32, #tpu.memory_space<vmem>>, vector<1x16xf32>,
      %get3A_225 = vector.shape_cast %get3A_224 : vector<1x16xf32> to vector<16xf32>
      %sub3A_226 = arith.subf %get3A_220, %get3A_225 : vector<16xf32>
      %mul3A_227 = vector.broadcast %squeeze3A : f32 to vector<16xf32>
      %mul3A_228 = arith.mulf %mul3A_227, %sub3A_226 : vector<16xf32>
      %add3A_229 = arith.addf %mul3A_228, %get3A_225 : vector<16xf32>
      %get3A_230 = arith.index_cast %scan3A_142 : i32 to index
      %get3A_231 = arith.constant 48 : index
      %get3A_232 = tpu.vector_load %arg10[%get3A_230, %get3A_231] {strides = array<i32>} : memref<64x128xf32, #tpu.memory_space<vmem>>, vector<1x16xf32>,
      %get3A_233 = vector.shape_cast %get3A_232 : vector<1x16xf32> to vector<16xf32>
      %add3A_234 = arith.addf %add3A_229, %get3A_233 : vector<16xf32>
      %swap3A_235 = arith.index_cast %scan3A_142 : i32 to index
      %swap3A_236 = arith.constant 48 : index
      %swap3A_237 = tpu.vector_load %arg10[%swap3A_235, %swap3A_236] {strides = array<i32>} : memref<64x128xf32, #tpu.memory_space<vmem>>, vector<1x16xf32>,
      %swap3A_238 = vector.shape_cast %swap3A_237 : vector<1x16xf32> to vector<16xf32>
      %swap3A_239 = vector.shape_cast %add3A_234 : vector<16xf32> to vector<1x16xf32>
      tpu.vector_store %arg10[%swap3A_235, %swap3A_236], %swap3A_239 {strides = array<i32>} : memref<64x128xf32, #tpu.memory_space<vmem>>, vector<1x16xf32>,
      %get3A_240 = arith.constant 0 : i32
      %get3A_241 = arith.index_cast %get3A_240 : i32 to index
      %get3A_242 = arith.constant 64 : index
      %get3A_243 = tpu.vector_load %arg12[%get3A_241, %get3A_242] {strides = array<i32>} : memref<1x128xf32, #tpu.memory_space<vmem>>, vector<1x16xf32>,
      %get3A_244 = vector.shape_cast %get3A_243 : vector<1x16xf32> to vector<16xf32>
      %get3A_245 = arith.constant 0 : i32
      %get3A_246 = arith.index_cast %get3A_245 : i32 to index
      %get3A_247 = arith.constant 64 : index
      %get3A_248 = tpu.vector_load %arg13[%get3A_246, %get3A_247] {strides = array<i32>} : memref<1x128xf32, #tpu.memory_space<vmem>>, vector<1x16xf32>,
      %get3A_249 = vector.shape_cast %get3A_248 : vector<1x16xf32> to vector<16xf32>
      %sub3A_250 = arith.subf %get3A_244, %get3A_249 : vector<16xf32>
      %mul3A_251 = vector.broadcast %squeeze3A : f32 to vector<16xf32>
      %mul3A_252 = arith.mulf %mul3A_251, %sub3A_250 : vector<16xf32>
      %add3A_253 = arith.addf %mul3A_252, %get3A_249 : vector<16xf32>
      %get3A_254 = arith.index_cast %scan3A_142 : i32 to index
      %get3A_255 = arith.constant 64 : index
      %get3A_256 = tpu.vector_load %arg10[%get3A_254, %get3A_255] {strides = array<i32>} : memref<64x128xf32, #tpu.memory_space<vmem>>, vector<1x16xf32>,
      %get3A_257 = vector.shape_cast %get3A_256 : vector<1x16xf32> to vector<16xf32>
      %add3A_258 = arith.addf %add3A_253, %get3A_257 : vector<16xf32>
      %swap3A_259 = arith.index_cast %scan3A_142 : i32 to index
      %swap3A_260 = arith.constant 64 : index
      %swap3A_261 = tpu.vector_load %arg10[%swap3A_259, %swap3A_260] {strides = array<i32>} : memref<64x128xf32, #tpu.memory_space<vmem>>, vector<1x16xf32>,
      %swap3A_262 = vector.shape_cast %swap3A_261 : vector<1x16xf32> to vector<16xf32>
      %swap3A_263 = vector.shape_cast %add3A_258 : vector<16xf32> to vector<1x16xf32>
      tpu.vector_store %arg10[%swap3A_259, %swap3A_260], %swap3A_263 {strides = array<i32>} : memref<64x128xf32, #tpu.memory_space<vmem>>, vector<1x16xf32>,
      %get3A_264 = arith.constant 0 : i32
      %get3A_265 = arith.index_cast %get3A_264 : i32 to index
      %get3A_266 = arith.constant 80 : index
      %get3A_267 = tpu.vector_load %arg12[%get3A_265, %get3A_266] {strides = array<i32>} : memref<1x128xf32, #tpu.memory_space<vmem>>, vector<1x16xf32>,
      %get3A_268 = vector.shape_cast %get3A_267 : vector<1x16xf32> to vector<16xf32>
      %get3A_269 = arith.constant 0 : i32
      %get3A_270 = arith.index_cast %get3A_269 : i32 to index
      %get3A_271 = arith.constant 80 : index
      %get3A_272 = tpu.vector_load %arg13[%get3A_270, %get3A_271] {strides = array<i32>} : memref<1x128xf32, #tpu.memory_space<vmem>>, vector<1x16xf32>,
      %get3A_273 = vector.shape_cast %get3A_272 : vector<1x16xf32> to vector<16xf32>
      %sub3A_274 = arith.subf %get3A_268, %get3A_273 : vector<16xf32>
      %mul3A_275 = vector.broadcast %squeeze3A : f32 to vector<16xf32>
      %mul3A_276 = arith.mulf %mul3A_275, %sub3A_274 : vector<16xf32>
      %add3A_277 = arith.addf %mul3A_276, %get3A_273 : vector<16xf32>
      %get3A_278 = arith.index_cast %scan3A_142 : i32 to index
      %get3A_279 = arith.constant 80 : index
      %get3A_280 = tpu.vector_load %arg10[%get3A_278, %get3A_279] {strides = array<i32>} : memref<64x128xf32, #tpu.memory_space<vmem>>, vector<1x16xf32>,
      %get3A_281 = vector.shape_cast %get3A_280 : vector<1x16xf32> to vector<16xf32>
      %add3A_282 = arith.addf %add3A_277, %get3A_281 : vector<16xf32>
      %swap3A_283 = arith.index_cast %scan3A_142 : i32 to index
      %swap3A_284 = arith.constant 80 : index
      %swap3A_285 = tpu.vector_load %arg10[%swap3A_283, %swap3A_284] {strides = array<i32>} : memref<64x128xf32, #tpu.memory_space<vmem>>, vector<1x16xf32>,
      %swap3A_286 = vector.shape_cast %swap3A_285 : vector<1x16xf32> to vector<16xf32>
      %swap3A_287 = vector.shape_cast %add3A_282 : vector<16xf32> to vector<1x16xf32>
      tpu.vector_store %arg10[%swap3A_283, %swap3A_284], %swap3A_287 {strides = array<i32>} : memref<64x128xf32, #tpu.memory_space<vmem>>, vector<1x16xf32>,
      %get3A_288 = arith.constant 0 : i32
      %get3A_289 = arith.index_cast %get3A_288 : i32 to index
      %get3A_290 = arith.constant 96 : index
      %get3A_291 = tpu.vector_load %arg12[%get3A_289, %get3A_290] {strides = array<i32>} : memref<1x128xf32, #tpu.memory_space<vmem>>, vector<1x16xf32>,
      %get3A_292 = vector.shape_cast %get3A_291 : vector<1x16xf32> to vector<16xf32>
      %get3A_293 = arith.constant 0 : i32
      %get3A_294 = arith.index_cast %get3A_293 : i32 to index
      %get3A_295 = arith.constant 96 : index
      %get3A_296 = tpu.vector_load %arg13[%get3A_294, %get3A_295] {strides = array<i32>} : memref<1x128xf32, #tpu.memory_space<vmem>>, vector<1x16xf32>,
      %get3A_297 = vector.shape_cast %get3A_296 : vector<1x16xf32> to vector<16xf32>
      %sub3A_298 = arith.subf %get3A_292, %get3A_297 : vector<16xf32>
      %mul3A_299 = vector.broadcast %squeeze3A : f32 to vector<16xf32>
      %mul3A_300 = arith.mulf %mul3A_299, %sub3A_298 : vector<16xf32>
      %add3A_301 = arith.addf %mul3A_300, %get3A_297 : vector<16xf32>
      %get3A_302 = arith.index_cast %scan3A_142 : i32 to index
      %get3A_303 = arith.constant 96 : index
      %get3A_304 = tpu.vector_load %arg10[%get3A_302, %get3A_303] {strides = array<i32>} : memref<64x128xf32, #tpu.memory_space<vmem>>, vector<1x16xf32>,
      %get3A_305 = vector.shape_cast %get3A_304 : vector<1x16xf32> to vector<16xf32>
      %add3A_306 = arith.addf %add3A_301, %get3A_305 : vector<16xf32>
      %swap3A_307 = arith.index_cast %scan3A_142 : i32 to index
      %swap3A_308 = arith.constant 96 : index
      %swap3A_309 = tpu.vector_load %arg10[%swap3A_307, %swap3A_308] {strides = array<i32>} : memref<64x128xf32, #tpu.memory_space<vmem>>, vector<1x16xf32>,
      %swap3A_310 = vector.shape_cast %swap3A_309 : vector<1x16xf32> to vector<16xf32>
      %swap3A_311 = vector.shape_cast %add3A_306 : vector<16xf32> to vector<1x16xf32>
      tpu.vector_store %arg10[%swap3A_307, %swap3A_308], %swap3A_311 {strides = array<i32>} : memref<64x128xf32, #tpu.memory_space<vmem>>, vector<1x16xf32>,
      %get3A_312 = arith.constant 0 : i32
      %get3A_313 = arith.index_cast %get3A_312 : i32 to index
      %get3A_314 = arith.constant 112 : index
      %get3A_315 = tpu.vector_load %arg12[%get3A_313, %get3A_314] {strides = array<i32>} : memref<1x128xf32, #tpu.memory_space<vmem>>, vector<1x16xf32>,
      %get3A_316 = vector.shape_cast %get3A_315 : vector<1x16xf32> to vector<16xf32>
      %get3A_317 = arith.constant 0 : i32
      %get3A_318 = arith.index_cast %get3A_317 : i32 to index
      %get3A_319 = arith.constant 112 : index
      %get3A_320 = tpu.vector_load %arg13[%get3A_318, %get3A_319] {strides = array<i32>} : memref<1x128xf32, #tpu.memory_space<vmem>>, vector<1x16xf32>,
      %get3A_321 = vector.shape_cast %get3A_320 : vector<1x16xf32> to vector<16xf32>
      %sub3A_322 = arith.subf %get3A_316, %get3A_321 : vector<16xf32>
      %mul3A_323 = vector.broadcast %squeeze3A : f32 to vector<16xf32>
      %mul3A_324 = arith.mulf %mul3A_323, %sub3A_322 : vector<16xf32>
      %add3A_325 = arith.addf %mul3A_324, %get3A_321 : vector<16xf32>
      %get3A_326 = arith.index_cast %scan3A_142 : i32 to index
      %get3A_327 = arith.constant 112 : index
      %get3A_328 = tpu.vector_load %arg10[%get3A_326, %get3A_327] {strides = array<i32>} : memref<64x128xf32, #tpu.memory_space<vmem>>, vector<1x16xf32>,
      %get3A_329 = vector.shape_cast %get3A_328 : vector<1x16xf32> to vector<16xf32>
      %add3A_330 = arith.addf %add3A_325, %get3A_329 : vector<16xf32>
      %swap3A_331 = arith.index_cast %scan3A_142 : i32 to index
      %swap3A_332 = arith.constant 112 : index
      %swap3A_333 = tpu.vector_load %arg10[%swap3A_331, %swap3A_332] {strides = array<i32>} : memref<64x128xf32, #tpu.memory_space<vmem>>, vector<1x16xf32>,
      %swap3A_334 = vector.shape_cast %swap3A_333 : vector<1x16xf32> to vector<16xf32>
      %swap3A_335 = vector.shape_cast %add3A_330 : vector<16xf32> to vector<1x16xf32>
      tpu.vector_store %arg10[%swap3A_331, %swap3A_332], %swap3A_335 {strides = array<i32>} : memref<64x128xf32, #tpu.memory_space<vmem>>, vector<1x16xf32>,
    }
    %scan3A_18 = arith.constant 64 : i32
    "tpu.region"() ({
      %run_scoped3A = tpu.sem_alloc : memref<!tpu.dma_semaphore, #tpu.memory_space<semaphore_mem>>
      %dma_start3A_142 = arith.constant 0 : i32
      %dma_start3A_143 = tpu.memref_slice %arg8[%mul3A_7, %dma_start3A_142] : memref<1024x128xf32, #tpu.memory_space<vmem_shared>> -> memref<64x128xf32, #tpu.memory_space<vmem_shared>>
      %dma_start3A_144 = arith.constant 0 : i32
      %dma_start3A_145 = tpu.memref_slice %arg8[%mul3A_7, %dma_start3A_144] : memref<1024x128xf32, #tpu.memory_space<vmem_shared>> -> memref<64x128xf32, #tpu.memory_space<vmem_shared>>
      tpu.enqueue_dma source(%arg10 : memref<64x128xf32, #tpu.memory_space<vmem>>) target(%dma_start3A_145 : memref<64x128xf32, #tpu.memory_space<vmem_shared>>) target_semaphore(%run_scoped3A : memref<!tpu.dma_semaphore, #tpu.memory_space<semaphore_mem>>)
      %dma_wait3A_146 = arith.constant 0 : i32
      %dma_wait3A_147 = tpu.memref_slice %arg8[%mul3A_7, %dma_wait3A_146] : memref<1024x128xf32, #tpu.memory_space<vmem_shared>> -> memref<64x128xf32, #tpu.memory_space<vmem_shared>>
      %dma_wait3A_148 = arith.constant 0 : i32
      %dma_wait3A_149 = tpu.memref_slice %arg8[%mul3A_7, %dma_wait3A_148] : memref<1024x128xf32, #tpu.memory_space<vmem_shared>> -> memref<64x128xf32, #tpu.memory_space<vmem_shared>>
      tpu.wait_dma2 semaphore(%run_scoped3A : memref<!tpu.dma_semaphore, #tpu.memory_space<semaphore_mem>>) src(%arg10 : memref<64x128xf32, #tpu.memory_space<vmem>>) dst(%dma_wait3A_149 : memref<64x128xf32, #tpu.memory_space<vmem_shared>>)
      tpu.yield
    }) : () -> ()
    %barrier3A = arith.constant 0 : index
    tpu.barrier barrier_id(%barrier3A)
    %dma_wait3A = arith.constant 0 : i32
    %dma_wait3A_19 = arith.constant 0 : i32
    %dma_wait3A_20 = tpu.memref_slice %arg6[%dma_wait3A, %dma_wait3A_19] : memref<4096x26xi32, #tpu.memory_space<hbm>> -> memref<128x26xi32, #tpu.memory_space<hbm>>
    %dma_wait3A_21 = arith.constant 0 : i32
    %dma_wait3A_22 = arith.constant 0 : i32
    %dma_wait3A_23 = tpu.memref_slice %arg6[%dma_wait3A_21, %dma_wait3A_22] : memref<4096x26xi32, #tpu.memory_space<hbm>> -> memref<128x26xi32, #tpu.memory_space<hbm>>
    tpu.wait_dma2 semaphore(%arg16 : memref<!tpu.dma_semaphore, #tpu.memory_space<semaphore_mem>>) src(%dma_wait3A_23 : memref<128x26xi32, #tpu.memory_space<hbm>>) dst(%arg9 : memref<128x26xi32, #tpu.memory_space<vmem>>)
    %dma_start3A_24 = arith.constant 0 : i32
    %dma_start3A_25 = arith.constant 0 : i32
    %dma_start3A_26 = arith.constant 0 : i32
    %dma_start3A_27 = arith.constant 0 : i32
    %dma_start3A_28 = tpu.memref_slice %arg14[%dma_start3A_25, %dma_start3A_26, %dma_start3A_27] : memref<8x26x128xf32, #tpu.memory_space<vmem>> -> memref<1x26x128xf32, #tpu.memory_space<vmem>>
    %dma_start3A_29 = tpu.memref_squeeze %dma_start3A_28 : memref<1x26x128xf32, #tpu.memory_space<vmem>> -> memref<26x128xf32, #tpu.memory_space<vmem>>
    %dma_start3A_30 = arith.constant 0 : i32
    %dma_start3A_31 = tpu.memref_slice %arg9[%dma_start3A_24, %dma_start3A_30] : memref<128x26xi32, #tpu.memory_space<vmem>> -> memref<1x26xi32, #tpu.memory_space<vmem>>
    %dma_start3A_32 = tpu.memref_squeeze %dma_start3A_31 : memref<1x26xi32, #tpu.memory_space<vmem>> -> memref<26xi32, #tpu.memory_space<vmem>>
    %dma_start3A_33 = arith.constant 0 : i32
    %dma_start3A_34 = arith.constant 0 : i32
    %dma_start3A_35 = tpu.memref_slice %arg8[%dma_start3A_33, %dma_start3A_34] : memref<1024x128xf32, #tpu.memory_space<vmem_shared>> -> memref<1024x128xf32, #tpu.memory_space<vmem_shared>>
    tpu.enqueue_indirect_dma source(%dma_start3A_35 : memref<1024x128xf32, #tpu.memory_space<vmem_shared>>) target(%dma_start3A_29 : memref<26x128xf32, #tpu.memory_space<vmem>>) offsets(%dma_start3A_32 : memref<26xi32, #tpu.memory_space<vmem>>) semaphore(%arg17 : memref<!tpu.dma_semaphore, #tpu.memory_space<semaphore_mem>>)
    %dma_start3A_36 = arith.constant 1 : i32
    %dma_start3A_37 = arith.constant 1 : i32
    %dma_start3A_38 = arith.constant 0 : i32
    %dma_start3A_39 = arith.constant 0 : i32
    %dma_start3A_40 = tpu.memref_slice %arg14[%dma_start3A_37, %dma_start3A_38, %dma_start3A_39] : memref<8x26x128xf32, #tpu.memory_space<vmem>> -> memref<1x26x128xf32, #tpu.memory_space<vmem>>
    %dma_start3A_41 = tpu.memref_squeeze %dma_start3A_40 : memref<1x26x128xf32, #tpu.memory_space<vmem>> -> memref<26x128xf32, #tpu.memory_space<vmem>>
    %dma_start3A_42 = arith.constant 0 : i32
    %dma_start3A_43 = tpu.memref_slice %arg9[%dma_start3A_36, %dma_start3A_42] : memref<128x26xi32, #tpu.memory_space<vmem>> -> memref<1x26xi32, #tpu.memory_space<vmem>>
    %dma_start3A_44 = tpu.memref_squeeze %dma_start3A_43 : memref<1x26xi32, #tpu.memory_space<vmem>> -> memref<26xi32, #tpu.memory_space<vmem>>
    %dma_start3A_45 = arith.constant 0 : i32
    %dma_start3A_46 = arith.constant 0 : i32
    %dma_start3A_47 = tpu.memref_slice %arg8[%dma_start3A_45, %dma_start3A_46] : memref<1024x128xf32, #tpu.memory_space<vmem_shared>> -> memref<1024x128xf32, #tpu.memory_space<vmem_shared>>
    tpu.enqueue_indirect_dma source(%dma_start3A_47 : memref<1024x128xf32, #tpu.memory_space<vmem_shared>>) target(%dma_start3A_41 : memref<26x128xf32, #tpu.memory_space<vmem>>) offsets(%dma_start3A_44 : memref<26xi32, #tpu.memory_space<vmem>>) semaphore(%arg17 : memref<!tpu.dma_semaphore, #tpu.memory_space<semaphore_mem>>)
    %dma_start3A_48 = arith.constant 2 : i32
    %dma_start3A_49 = arith.constant 2 : i32
    %dma_start3A_50 = arith.constant 0 : i32
    %dma_start3A_51 = arith.constant 0 : i32
    %dma_start3A_52 = tpu.memref_slice %arg14[%dma_start3A_49, %dma_start3A_50, %dma_start3A_51] : memref<8x26x128xf32, #tpu.memory_space<vmem>> -> memref<1x26x128xf32, #tpu.memory_space<vmem>>
    %dma_start3A_53 = tpu.memref_squeeze %dma_start3A_52 : memref<1x26x128xf32, #tpu.memory_space<vmem>> -> memref<26x128xf32, #tpu.memory_space<vmem>>
    %dma_start3A_54 = arith.constant 0 : i32
    %dma_start3A_55 = tpu.memref_slice %arg9[%dma_start3A_48, %dma_start3A_54] : memref<128x26xi32, #tpu.memory_space<vmem>> -> memref<1x26xi32, #tpu.memory_space<vmem>>
    %dma_start3A_56 = tpu.memref_squeeze %dma_start3A_55 : memref<1x26xi32, #tpu.memory_space<vmem>> -> memref<26xi32, #tpu.memory_space<vmem>>
    %dma_start3A_57 = arith.constant 0 : i32
    %dma_start3A_58 = arith.constant 0 : i32
    %dma_start3A_59 = tpu.memref_slice %arg8[%dma_start3A_57, %dma_start3A_58] : memref<1024x128xf32, #tpu.memory_space<vmem_shared>> -> memref<1024x128xf32, #tpu.memory_space<vmem_shared>>
    tpu.enqueue_indirect_dma source(%dma_start3A_59 : memref<1024x128xf32, #tpu.memory_space<vmem_shared>>) target(%dma_start3A_53 : memref<26x128xf32, #tpu.memory_space<vmem>>) offsets(%dma_start3A_56 : memref<26xi32, #tpu.memory_space<vmem>>) semaphore(%arg17 : memref<!tpu.dma_semaphore, #tpu.memory_space<semaphore_mem>>)
    %dma_start3A_60 = arith.constant 3 : i32
    %dma_start3A_61 = arith.constant 3 : i32
    %dma_start3A_62 = arith.constant 0 : i32
    %dma_start3A_63 = arith.constant 0 : i32
    %dma_start3A_64 = tpu.memref_slice %arg14[%dma_start3A_61, %dma_start3A_62, %dma_start3A_63] : memref<8x26x128xf32, #tpu.memory_space<vmem>> -> memref<1x26x128xf32, #tpu.memory_space<vmem>>
    %dma_start3A_65 = tpu.memref_squeeze %dma_start3A_64 : memref<1x26x128xf32, #tpu.memory_space<vmem>> -> memref<26x128xf32, #tpu.memory_space<vmem>>
    %dma_start3A_66 = arith.constant 0 : i32
    %dma_start3A_67 = tpu.memref_slice %arg9[%dma_start3A_60, %dma_start3A_66] : memref<128x26xi32, #tpu.memory_space<vmem>> -> memref<1x26xi32, #tpu.memory_space<vmem>>
    %dma_start3A_68 = tpu.memref_squeeze %dma_start3A_67 : memref<1x26xi32, #tpu.memory_space<vmem>> -> memref<26xi32, #tpu.memory_space<vmem>>
    %dma_start3A_69 = arith.constant 0 : i32
    %dma_start3A_70 = arith.constant 0 : i32
    %dma_start3A_71 = tpu.memref_slice %arg8[%dma_start3A_69, %dma_start3A_70] : memref<1024x128xf32, #tpu.memory_space<vmem_shared>> -> memref<1024x128xf32, #tpu.memory_space<vmem_shared>>
    tpu.enqueue_indirect_dma source(%dma_start3A_71 : memref<1024x128xf32, #tpu.memory_space<vmem_shared>>) target(%dma_start3A_65 : memref<26x128xf32, #tpu.memory_space<vmem>>) offsets(%dma_start3A_68 : memref<26xi32, #tpu.memory_space<vmem>>) semaphore(%arg17 : memref<!tpu.dma_semaphore, #tpu.memory_space<semaphore_mem>>)
    %dma_start3A_72 = arith.constant 4 : i32
    %dma_start3A_73 = arith.constant 4 : i32
    %dma_start3A_74 = arith.constant 0 : i32
    %dma_start3A_75 = arith.constant 0 : i32
    %dma_start3A_76 = tpu.memref_slice %arg14[%dma_start3A_73, %dma_start3A_74, %dma_start3A_75] : memref<8x26x128xf32, #tpu.memory_space<vmem>> -> memref<1x26x128xf32, #tpu.memory_space<vmem>>
    %dma_start3A_77 = tpu.memref_squeeze %dma_start3A_76 : memref<1x26x128xf32, #tpu.memory_space<vmem>> -> memref<26x128xf32, #tpu.memory_space<vmem>>
    %dma_start3A_78 = arith.constant 0 : i32
    %dma_start3A_79 = tpu.memref_slice %arg9[%dma_start3A_72, %dma_start3A_78] : memref<128x26xi32, #tpu.memory_space<vmem>> -> memref<1x26xi32, #tpu.memory_space<vmem>>
    %dma_start3A_80 = tpu.memref_squeeze %dma_start3A_79 : memref<1x26xi32, #tpu.memory_space<vmem>> -> memref<26xi32, #tpu.memory_space<vmem>>
    %dma_start3A_81 = arith.constant 0 : i32
    %dma_start3A_82 = arith.constant 0 : i32
    %dma_start3A_83 = tpu.memref_slice %arg8[%dma_start3A_81, %dma_start3A_82] : memref<1024x128xf32, #tpu.memory_space<vmem_shared>> -> memref<1024x128xf32, #tpu.memory_space<vmem_shared>>
    tpu.enqueue_indirect_dma source(%dma_start3A_83 : memref<1024x128xf32, #tpu.memory_space<vmem_shared>>) target(%dma_start3A_77 : memref<26x128xf32, #tpu.memory_space<vmem>>) offsets(%dma_start3A_80 : memref<26xi32, #tpu.memory_space<vmem>>) semaphore(%arg17 : memref<!tpu.dma_semaphore, #tpu.memory_space<semaphore_mem>>)
    %dma_start3A_84 = arith.constant 5 : i32
    %dma_start3A_85 = arith.constant 5 : i32
    %dma_start3A_86 = arith.constant 0 : i32
    %dma_start3A_87 = arith.constant 0 : i32
    %dma_start3A_88 = tpu.memref_slice %arg14[%dma_start3A_85, %dma_start3A_86, %dma_start3A_87] : memref<8x26x128xf32, #tpu.memory_space<vmem>> -> memref<1x26x128xf32, #tpu.memory_space<vmem>>
    %dma_start3A_89 = tpu.memref_squeeze %dma_start3A_88 : memref<1x26x128xf32, #tpu.memory_space<vmem>> -> memref<26x128xf32, #tpu.memory_space<vmem>>
    %dma_start3A_90 = arith.constant 0 : i32
    %dma_start3A_91 = tpu.memref_slice %arg9[%dma_start3A_84, %dma_start3A_90] : memref<128x26xi32, #tpu.memory_space<vmem>> -> memref<1x26xi32, #tpu.memory_space<vmem>>
    %dma_start3A_92 = tpu.memref_squeeze %dma_start3A_91 : memref<1x26xi32, #tpu.memory_space<vmem>> -> memref<26xi32, #tpu.memory_space<vmem>>
    %dma_start3A_93 = arith.constant 0 : i32
    %dma_start3A_94 = arith.constant 0 : i32
    %dma_start3A_95 = tpu.memref_slice %arg8[%dma_start3A_93, %dma_start3A_94] : memref<1024x128xf32, #tpu.memory_space<vmem_shared>> -> memref<1024x128xf32, #tpu.memory_space<vmem_shared>>
    tpu.enqueue_indirect_dma source(%dma_start3A_95 : memref<1024x128xf32, #tpu.memory_space<vmem_shared>>) target(%dma_start3A_89 : memref<26x128xf32, #tpu.memory_space<vmem>>) offsets(%dma_start3A_92 : memref<26xi32, #tpu.memory_space<vmem>>) semaphore(%arg17 : memref<!tpu.dma_semaphore, #tpu.memory_space<semaphore_mem>>)
    %dma_start3A_96 = arith.constant 6 : i32
    %dma_start3A_97 = arith.constant 6 : i32
    %dma_start3A_98 = arith.constant 0 : i32
    %dma_start3A_99 = arith.constant 0 : i32
    %dma_start3A_100 = tpu.memref_slice %arg14[%dma_start3A_97, %dma_start3A_98, %dma_start3A_99] : memref<8x26x128xf32, #tpu.memory_space<vmem>> -> memref<1x26x128xf32, #tpu.memory_space<vmem>>
    %dma_start3A_101 = tpu.memref_squeeze %dma_start3A_100 : memref<1x26x128xf32, #tpu.memory_space<vmem>> -> memref<26x128xf32, #tpu.memory_space<vmem>>
    %dma_start3A_102 = arith.constant 0 : i32
    %dma_start3A_103 = tpu.memref_slice %arg9[%dma_start3A_96, %dma_start3A_102] : memref<128x26xi32, #tpu.memory_space<vmem>> -> memref<1x26xi32, #tpu.memory_space<vmem>>
    %dma_start3A_104 = tpu.memref_squeeze %dma_start3A_103 : memref<1x26xi32, #tpu.memory_space<vmem>> -> memref<26xi32, #tpu.memory_space<vmem>>
    %dma_start3A_105 = arith.constant 0 : i32
    %dma_start3A_106 = arith.constant 0 : i32
    %dma_start3A_107 = tpu.memref_slice %arg8[%dma_start3A_105, %dma_start3A_106] : memref<1024x128xf32, #tpu.memory_space<vmem_shared>> -> memref<1024x128xf32, #tpu.memory_space<vmem_shared>>
    tpu.enqueue_indirect_dma source(%dma_start3A_107 : memref<1024x128xf32, #tpu.memory_space<vmem_shared>>) target(%dma_start3A_101 : memref<26x128xf32, #tpu.memory_space<vmem>>) offsets(%dma_start3A_104 : memref<26xi32, #tpu.memory_space<vmem>>) semaphore(%arg17 : memref<!tpu.dma_semaphore, #tpu.memory_space<semaphore_mem>>)
    %dma_start3A_108 = arith.constant 7 : i32
    %dma_start3A_109 = arith.constant 7 : i32
    %dma_start3A_110 = arith.constant 0 : i32
    %dma_start3A_111 = arith.constant 0 : i32
    %dma_start3A_112 = tpu.memref_slice %arg14[%dma_start3A_109, %dma_start3A_110, %dma_start3A_111] : memref<8x26x128xf32, #tpu.memory_space<vmem>> -> memref<1x26x128xf32, #tpu.memory_space<vmem>>
    %dma_start3A_113 = tpu.memref_squeeze %dma_start3A_112 : memref<1x26x128xf32, #tpu.memory_space<vmem>> -> memref<26x128xf32, #tpu.memory_space<vmem>>
    %dma_start3A_114 = arith.constant 0 : i32
    %dma_start3A_115 = tpu.memref_slice %arg9[%dma_start3A_108, %dma_start3A_114] : memref<128x26xi32, #tpu.memory_space<vmem>> -> memref<1x26xi32, #tpu.memory_space<vmem>>
    %dma_start3A_116 = tpu.memref_squeeze %dma_start3A_115 : memref<1x26xi32, #tpu.memory_space<vmem>> -> memref<26xi32, #tpu.memory_space<vmem>>
    %dma_start3A_117 = arith.constant 0 : i32
    %dma_start3A_118 = arith.constant 0 : i32
    %dma_start3A_119 = tpu.memref_slice %arg8[%dma_start3A_117, %dma_start3A_118] : memref<1024x128xf32, #tpu.memory_space<vmem_shared>> -> memref<1024x128xf32, #tpu.memory_space<vmem_shared>>
    tpu.enqueue_indirect_dma source(%dma_start3A_119 : memref<1024x128xf32, #tpu.memory_space<vmem_shared>>) target(%dma_start3A_113 : memref<26x128xf32, #tpu.memory_space<vmem>>) offsets(%dma_start3A_116 : memref<26xi32, #tpu.memory_space<vmem>>) semaphore(%arg17 : memref<!tpu.dma_semaphore, #tpu.memory_space<semaphore_mem>>)
    %scan3A_120 = arith.constant 0 : i32
    %scan3A_121 = arith.constant 0 : i32
    %scan3A_122 = arith.constant 8 : i32
    %scan3A_123 = arith.addi %scan3A_121, %scan3A_122 : i32
    %scan3A_124 = arith.constant 1 : i32
    scf.for %scan3A_142 = %scan3A_121 to %scan3A_123 step %scan3A_124  : i32 {
      %mul3A_143 = arith.constant 2 : i32
      %mul3A_144 = arith.muli %scan3A_142, %mul3A_143 : i32
      %add3A_145 = arith.constant 0 : i32
      %add3A_146 = arith.addi %mul3A_144, %add3A_145 : i32
      %add3A_147 = arith.constant 1 : i32
      %add3A_148 = arith.addi %add3A_146, %add3A_147 : i32
      %ge3A = arith.constant 2 : i32
      %ge3A_149 = arith.cmpi sge, %add3A_148, %ge3A : i32
      %lt3A_150 = arith.constant 16 : i32
      %lt3A_151 = arith.cmpi slt, %add3A_148, %lt3A_150 : i32
      %and3A = arith.andi %ge3A_149, %lt3A_151 : i1
      %convert_element_type3A_152 = arith.extui %and3A : i1 to i32
      %cond3A_153 = arith.constant 0 : i32
      %cond3A_154 = arith.cmpi ne, %convert_element_type3A_152, %cond3A_153 : i32
      scf.if %cond3A_154 {
        %dma_wait3A_192 = arith.constant 0 : i32
        %dma_wait3A_193 = arith.constant 0 : i32
        %dma_wait3A_194 = arith.constant 0 : i32
        %dma_wait3A_195 = tpu.memref_slice %arg7[%dma_wait3A_192, %dma_wait3A_193, %dma_wait3A_194] : memref<4096x26x128xf32, #tpu.memory_space<hbm>> -> memref<8x26x128xf32, #tpu.memory_space<hbm>>
        %dma_wait3A_196 = arith.constant 0 : i32
        %dma_wait3A_197 = arith.constant 0 : i32
        %dma_wait3A_198 = arith.constant 0 : i32
        %dma_wait3A_199 = tpu.memref_slice %arg7[%dma_wait3A_196, %dma_wait3A_197, %dma_wait3A_198] : memref<4096x26x128xf32, #tpu.memory_space<hbm>> -> memref<8x26x128xf32, #tpu.memory_space<hbm>>
        tpu.wait_dma2 semaphore(%arg20 : memref<!tpu.dma_semaphore, #tpu.memory_space<semaphore_mem>>) src(%arg15 : memref<8x26x128xf32, #tpu.memory_space<vmem>>) dst(%dma_wait3A_199 : memref<8x26x128xf32, #tpu.memory_space<hbm>>)
      } else {
      }
      %lt3A_155 = arith.constant 16 : i32
      %lt3A_156 = arith.cmpi slt, %add3A_148, %lt3A_155 : i32
      %convert_element_type3A_157 = arith.extui %lt3A_156 : i1 to i32
      %cond3A_158 = arith.constant 0 : i32
      %cond3A_159 = arith.cmpi ne, %convert_element_type3A_157, %cond3A_158 : i32
      scf.if %cond3A_159 {
        %mul3A_192 = arith.constant 8 : i32
        %mul3A_193 = arith.muli %add3A_148, %mul3A_192 : i32
        %add3A_194 = arith.constant 0 : i32
        %add3A_195 = arith.addi %mul3A_193, %add3A_194 : i32
        %dma_start3A_196 = arith.constant 0 : i32
        %dma_start3A_197 = arith.constant 0 : i32
        %dma_start3A_198 = arith.constant 0 : i32
        %dma_start3A_199 = tpu.memref_slice %arg15[%dma_start3A_196, %dma_start3A_197, %dma_start3A_198] : memref<8x26x128xf32, #tpu.memory_space<vmem>> -> memref<1x26x128xf32, #tpu.memory_space<vmem>>
        %dma_start3A_200 = tpu.memref_squeeze %dma_start3A_199 : memref<1x26x128xf32, #tpu.memory_space<vmem>> -> memref<26x128xf32, #tpu.memory_space<vmem>>
        %dma_start3A_201 = arith.constant 0 : i32
        %dma_start3A_202 = tpu.memref_slice %arg9[%add3A_195, %dma_start3A_201] : memref<128x26xi32, #tpu.memory_space<vmem>> -> memref<1x26xi32, #tpu.memory_space<vmem>>
        %dma_start3A_203 = tpu.memref_squeeze %dma_start3A_202 : memref<1x26xi32, #tpu.memory_space<vmem>> -> memref<26xi32, #tpu.memory_space<vmem>>
        %dma_start3A_204 = arith.constant 0 : i32
        %dma_start3A_205 = arith.constant 0 : i32
        %dma_start3A_206 = tpu.memref_slice %arg8[%dma_start3A_204, %dma_start3A_205] : memref<1024x128xf32, #tpu.memory_space<vmem_shared>> -> memref<1024x128xf32, #tpu.memory_space<vmem_shared>>
        tpu.enqueue_indirect_dma source(%dma_start3A_206 : memref<1024x128xf32, #tpu.memory_space<vmem_shared>>) target(%dma_start3A_200 : memref<26x128xf32, #tpu.memory_space<vmem>>) offsets(%dma_start3A_203 : memref<26xi32, #tpu.memory_space<vmem>>) semaphore(%arg18 : memref<!tpu.dma_semaphore, #tpu.memory_space<semaphore_mem>>)
        %mul3A_207 = arith.constant 8 : i32
        %mul3A_208 = arith.muli %add3A_148, %mul3A_207 : i32
        %add3A_209 = arith.constant 1 : i32
        %add3A_210 = arith.addi %mul3A_208, %add3A_209 : i32
        %dma_start3A_211 = arith.constant 1 : i32
        %dma_start3A_212 = arith.constant 0 : i32
        %dma_start3A_213 = arith.constant 0 : i32
        %dma_start3A_214 = tpu.memref_slice %arg15[%dma_start3A_211, %dma_start3A_212, %dma_start3A_213] : memref<8x26x128xf32, #tpu.memory_space<vmem>> -> memref<1x26x128xf32, #tpu.memory_space<vmem>>
        %dma_start3A_215 = tpu.memref_squeeze %dma_start3A_214 : memref<1x26x128xf32, #tpu.memory_space<vmem>> -> memref<26x128xf32, #tpu.memory_space<vmem>>
        %dma_start3A_216 = arith.constant 0 : i32
        %dma_start3A_217 = tpu.memref_slice %arg9[%add3A_210, %dma_start3A_216] : memref<128x26xi32, #tpu.memory_space<vmem>> -> memref<1x26xi32, #tpu.memory_space<vmem>>
        %dma_start3A_218 = tpu.memref_squeeze %dma_start3A_217 : memref<1x26xi32, #tpu.memory_space<vmem>> -> memref<26xi32, #tpu.memory_space<vmem>>
        %dma_start3A_219 = arith.constant 0 : i32
        %dma_start3A_220 = arith.constant 0 : i32
        %dma_start3A_221 = tpu.memref_slice %arg8[%dma_start3A_219, %dma_start3A_220] : memref<1024x128xf32, #tpu.memory_space<vmem_shared>> -> memref<1024x128xf32, #tpu.memory_space<vmem_shared>>
        tpu.enqueue_indirect_dma source(%dma_start3A_221 : memref<1024x128xf32, #tpu.memory_space<vmem_shared>>) target(%dma_start3A_215 : memref<26x128xf32, #tpu.memory_space<vmem>>) offsets(%dma_start3A_218 : memref<26xi32, #tpu.memory_space<vmem>>) semaphore(%arg18 : memref<!tpu.dma_semaphore, #tpu.memory_space<semaphore_mem>>)
        %mul3A_222 = arith.constant 8 : i32
        %mul3A_223 = arith.muli %add3A_148, %mul3A_222 : i32
        %add3A_224 = arith.constant 2 : i32
        %add3A_225 = arith.addi %mul3A_223, %add3A_224 : i32
        %dma_start3A_226 = arith.constant 2 : i32
        %dma_start3A_227 = arith.constant 0 : i32
        %dma_start3A_228 = arith.constant 0 : i32
        %dma_start3A_229 = tpu.memref_slice %arg15[%dma_start3A_226, %dma_start3A_227, %dma_start3A_228] : memref<8x26x128xf32, #tpu.memory_space<vmem>> -> memref<1x26x128xf32, #tpu.memory_space<vmem>>
        %dma_start3A_230 = tpu.memref_squeeze %dma_start3A_229 : memref<1x26x128xf32, #tpu.memory_space<vmem>> -> memref<26x128xf32, #tpu.memory_space<vmem>>
        %dma_start3A_231 = arith.constant 0 : i32
        %dma_start3A_232 = tpu.memref_slice %arg9[%add3A_225, %dma_start3A_231] : memref<128x26xi32, #tpu.memory_space<vmem>> -> memref<1x26xi32, #tpu.memory_space<vmem>>
        %dma_start3A_233 = tpu.memref_squeeze %dma_start3A_232 : memref<1x26xi32, #tpu.memory_space<vmem>> -> memref<26xi32, #tpu.memory_space<vmem>>
        %dma_start3A_234 = arith.constant 0 : i32
        %dma_start3A_235 = arith.constant 0 : i32
        %dma_start3A_236 = tpu.memref_slice %arg8[%dma_start3A_234, %dma_start3A_235] : memref<1024x128xf32, #tpu.memory_space<vmem_shared>> -> memref<1024x128xf32, #tpu.memory_space<vmem_shared>>
        tpu.enqueue_indirect_dma source(%dma_start3A_236 : memref<1024x128xf32, #tpu.memory_space<vmem_shared>>) target(%dma_start3A_230 : memref<26x128xf32, #tpu.memory_space<vmem>>) offsets(%dma_start3A_233 : memref<26xi32, #tpu.memory_space<vmem>>) semaphore(%arg18 : memref<!tpu.dma_semaphore, #tpu.memory_space<semaphore_mem>>)
        %mul3A_237 = arith.constant 8 : i32
        %mul3A_238 = arith.muli %add3A_148, %mul3A_237 : i32
        %add3A_239 = arith.constant 3 : i32
        %add3A_240 = arith.addi %mul3A_238, %add3A_239 : i32
        %dma_start3A_241 = arith.constant 3 : i32
        %dma_start3A_242 = arith.constant 0 : i32
        %dma_start3A_243 = arith.constant 0 : i32
        %dma_start3A_244 = tpu.memref_slice %arg15[%dma_start3A_241, %dma_start3A_242, %dma_start3A_243] : memref<8x26x128xf32, #tpu.memory_space<vmem>> -> memref<1x26x128xf32, #tpu.memory_space<vmem>>
        %dma_start3A_245 = tpu.memref_squeeze %dma_start3A_244 : memref<1x26x128xf32, #tpu.memory_space<vmem>> -> memref<26x128xf32, #tpu.memory_space<vmem>>
        %dma_start3A_246 = arith.constant 0 : i32
        %dma_start3A_247 = tpu.memref_slice %arg9[%add3A_240, %dma_start3A_246] : memref<128x26xi32, #tpu.memory_space<vmem>> -> memref<1x26xi32, #tpu.memory_space<vmem>>
        %dma_start3A_248 = tpu.memref_squeeze %dma_start3A_247 : memref<1x26xi32, #tpu.memory_space<vmem>> -> memref<26xi32, #tpu.memory_space<vmem>>
        %dma_start3A_249 = arith.constant 0 : i32
        %dma_start3A_250 = arith.constant 0 : i32
        %dma_start3A_251 = tpu.memref_slice %arg8[%dma_start3A_249, %dma_start3A_250] : memref<1024x128xf32, #tpu.memory_space<vmem_shared>> -> memref<1024x128xf32, #tpu.memory_space<vmem_shared>>
        tpu.enqueue_indirect_dma source(%dma_start3A_251 : memref<1024x128xf32, #tpu.memory_space<vmem_shared>>) target(%dma_start3A_245 : memref<26x128xf32, #tpu.memory_space<vmem>>) offsets(%dma_start3A_248 : memref<26xi32, #tpu.memory_space<vmem>>) semaphore(%arg18 : memref<!tpu.dma_semaphore, #tpu.memory_space<semaphore_mem>>)
        %mul3A_252 = arith.constant 8 : i32
        %mul3A_253 = arith.muli %add3A_148, %mul3A_252 : i32
        %add3A_254 = arith.constant 4 : i32
        %add3A_255 = arith.addi %mul3A_253, %add3A_254 : i32
        %dma_start3A_256 = arith.constant 4 : i32
        %dma_start3A_257 = arith.constant 0 : i32
        %dma_start3A_258 = arith.constant 0 : i32
        %dma_start3A_259 = tpu.memref_slice %arg15[%dma_start3A_256, %dma_start3A_257, %dma_start3A_258] : memref<8x26x128xf32, #tpu.memory_space<vmem>> -> memref<1x26x128xf32, #tpu.memory_space<vmem>>
        %dma_start3A_260 = tpu.memref_squeeze %dma_start3A_259 : memref<1x26x128xf32, #tpu.memory_space<vmem>> -> memref<26x128xf32, #tpu.memory_space<vmem>>
        %dma_start3A_261 = arith.constant 0 : i32
        %dma_start3A_262 = tpu.memref_slice %arg9[%add3A_255, %dma_start3A_261] : memref<128x26xi32, #tpu.memory_space<vmem>> -> memref<1x26xi32, #tpu.memory_space<vmem>>
        %dma_start3A_263 = tpu.memref_squeeze %dma_start3A_262 : memref<1x26xi32, #tpu.memory_space<vmem>> -> memref<26xi32, #tpu.memory_space<vmem>>
        %dma_start3A_264 = arith.constant 0 : i32
        %dma_start3A_265 = arith.constant 0 : i32
        %dma_start3A_266 = tpu.memref_slice %arg8[%dma_start3A_264, %dma_start3A_265] : memref<1024x128xf32, #tpu.memory_space<vmem_shared>> -> memref<1024x128xf32, #tpu.memory_space<vmem_shared>>
        tpu.enqueue_indirect_dma source(%dma_start3A_266 : memref<1024x128xf32, #tpu.memory_space<vmem_shared>>) target(%dma_start3A_260 : memref<26x128xf32, #tpu.memory_space<vmem>>) offsets(%dma_start3A_263 : memref<26xi32, #tpu.memory_space<vmem>>) semaphore(%arg18 : memref<!tpu.dma_semaphore, #tpu.memory_space<semaphore_mem>>)
        %mul3A_267 = arith.constant 8 : i32
        %mul3A_268 = arith.muli %add3A_148, %mul3A_267 : i32
        %add3A_269 = arith.constant 5 : i32
        %add3A_270 = arith.addi %mul3A_268, %add3A_269 : i32
        %dma_start3A_271 = arith.constant 5 : i32
        %dma_start3A_272 = arith.constant 0 : i32
        %dma_start3A_273 = arith.constant 0 : i32
        %dma_start3A_274 = tpu.memref_slice %arg15[%dma_start3A_271, %dma_start3A_272, %dma_start3A_273] : memref<8x26x128xf32, #tpu.memory_space<vmem>> -> memref<1x26x128xf32, #tpu.memory_space<vmem>>
        %dma_start3A_275 = tpu.memref_squeeze %dma_start3A_274 : memref<1x26x128xf32, #tpu.memory_space<vmem>> -> memref<26x128xf32, #tpu.memory_space<vmem>>
        %dma_start3A_276 = arith.constant 0 : i32
        %dma_start3A_277 = tpu.memref_slice %arg9[%add3A_270, %dma_start3A_276] : memref<128x26xi32, #tpu.memory_space<vmem>> -> memref<1x26xi32, #tpu.memory_space<vmem>>
        %dma_start3A_278 = tpu.memref_squeeze %dma_start3A_277 : memref<1x26xi32, #tpu.memory_space<vmem>> -> memref<26xi32, #tpu.memory_space<vmem>>
        %dma_start3A_279 = arith.constant 0 : i32
        %dma_start3A_280 = arith.constant 0 : i32
        %dma_start3A_281 = tpu.memref_slice %arg8[%dma_start3A_279, %dma_start3A_280] : memref<1024x128xf32, #tpu.memory_space<vmem_shared>> -> memref<1024x128xf32, #tpu.memory_space<vmem_shared>>
        tpu.enqueue_indirect_dma source(%dma_start3A_281 : memref<1024x128xf32, #tpu.memory_space<vmem_shared>>) target(%dma_start3A_275 : memref<26x128xf32, #tpu.memory_space<vmem>>) offsets(%dma_start3A_278 : memref<26xi32, #tpu.memory_space<vmem>>) semaphore(%arg18 : memref<!tpu.dma_semaphore, #tpu.memory_space<semaphore_mem>>)
        %mul3A_282 = arith.constant 8 : i32
        %mul3A_283 = arith.muli %add3A_148, %mul3A_282 : i32
        %add3A_284 = arith.constant 6 : i32
        %add3A_285 = arith.addi %mul3A_283, %add3A_284 : i32
        %dma_start3A_286 = arith.constant 6 : i32
        %dma_start3A_287 = arith.constant 0 : i32
        %dma_start3A_288 = arith.constant 0 : i32
        %dma_start3A_289 = tpu.memref_slice %arg15[%dma_start3A_286, %dma_start3A_287, %dma_start3A_288] : memref<8x26x128xf32, #tpu.memory_space<vmem>> -> memref<1x26x128xf32, #tpu.memory_space<vmem>>
        %dma_start3A_290 = tpu.memref_squeeze %dma_start3A_289 : memref<1x26x128xf32, #tpu.memory_space<vmem>> -> memref<26x128xf32, #tpu.memory_space<vmem>>
        %dma_start3A_291 = arith.constant 0 : i32
        %dma_start3A_292 = tpu.memref_slice %arg9[%add3A_285, %dma_start3A_291] : memref<128x26xi32, #tpu.memory_space<vmem>> -> memref<1x26xi32, #tpu.memory_space<vmem>>
        %dma_start3A_293 = tpu.memref_squeeze %dma_start3A_292 : memref<1x26xi32, #tpu.memory_space<vmem>> -> memref<26xi32, #tpu.memory_space<vmem>>
        %dma_start3A_294 = arith.constant 0 : i32
        %dma_start3A_295 = arith.constant 0 : i32
        %dma_start3A_296 = tpu.memref_slice %arg8[%dma_start3A_294, %dma_start3A_295] : memref<1024x128xf32, #tpu.memory_space<vmem_shared>> -> memref<1024x128xf32, #tpu.memory_space<vmem_shared>>
        tpu.enqueue_indirect_dma source(%dma_start3A_296 : memref<1024x128xf32, #tpu.memory_space<vmem_shared>>) target(%dma_start3A_290 : memref<26x128xf32, #tpu.memory_space<vmem>>) offsets(%dma_start3A_293 : memref<26xi32, #tpu.memory_space<vmem>>) semaphore(%arg18 : memref<!tpu.dma_semaphore, #tpu.memory_space<semaphore_mem>>)
        %mul3A_297 = arith.constant 8 : i32
        %mul3A_298 = arith.muli %add3A_148, %mul3A_297 : i32
        %add3A_299 = arith.constant 7 : i32
        %add3A_300 = arith.addi %mul3A_298, %add3A_299 : i32
        %dma_start3A_301 = arith.constant 7 : i32
        %dma_start3A_302 = arith.constant 0 : i32
        %dma_start3A_303 = arith.constant 0 : i32
        %dma_start3A_304 = tpu.memref_slice %arg15[%dma_start3A_301, %dma_start3A_302, %dma_start3A_303] : memref<8x26x128xf32, #tpu.memory_space<vmem>> -> memref<1x26x128xf32, #tpu.memory_space<vmem>>
        %dma_start3A_305 = tpu.memref_squeeze %dma_start3A_304 : memref<1x26x128xf32, #tpu.memory_space<vmem>> -> memref<26x128xf32, #tpu.memory_space<vmem>>
        %dma_start3A_306 = arith.constant 0 : i32
        %dma_start3A_307 = tpu.memref_slice %arg9[%add3A_300, %dma_start3A_306] : memref<128x26xi32, #tpu.memory_space<vmem>> -> memref<1x26xi32, #tpu.memory_space<vmem>>
        %dma_start3A_308 = tpu.memref_squeeze %dma_start3A_307 : memref<1x26xi32, #tpu.memory_space<vmem>> -> memref<26xi32, #tpu.memory_space<vmem>>
        %dma_start3A_309 = arith.constant 0 : i32
        %dma_start3A_310 = arith.constant 0 : i32
        %dma_start3A_311 = tpu.memref_slice %arg8[%dma_start3A_309, %dma_start3A_310] : memref<1024x128xf32, #tpu.memory_space<vmem_shared>> -> memref<1024x128xf32, #tpu.memory_space<vmem_shared>>
        tpu.enqueue_indirect_dma source(%dma_start3A_311 : memref<1024x128xf32, #tpu.memory_space<vmem_shared>>) target(%dma_start3A_305 : memref<26x128xf32, #tpu.memory_space<vmem>>) offsets(%dma_start3A_308 : memref<26xi32, #tpu.memory_space<vmem>>) semaphore(%arg18 : memref<!tpu.dma_semaphore, #tpu.memory_space<semaphore_mem>>)
      } else {
      }
      %sub3A = arith.constant 1 : i32
      %sub3A_160 = arith.subi %add3A_148, %sub3A : i32
      %lt3A_161 = arith.constant 16 : i32
      %lt3A_162 = arith.cmpi slt, %sub3A_160, %lt3A_161 : i32
      %convert_element_type3A_163 = arith.extui %lt3A_162 : i1 to i32
      %cond3A_164 = arith.constant 0 : i32
      %cond3A_165 = arith.cmpi ne, %convert_element_type3A_163, %cond3A_164 : i32
      scf.if %cond3A_165 {
        %sub3A_192 = arith.constant 1 : i32
        %sub3A_193 = arith.subi %add3A_148, %sub3A_192 : i32
        %dma_wait3A_194 = arith.constant 0 : i32
        %dma_wait3A_195 = arith.constant 0 : i32
        %dma_wait3A_196 = arith.constant 0 : i32
        %dma_wait3A_197 = arith.constant 0 : i32
        %dma_wait3A_198 = tpu.memref_slice %arg14[%dma_wait3A_195, %dma_wait3A_196, %dma_wait3A_197] : memref<8x26x128xf32, #tpu.memory_space<vmem>> -> memref<1x26x128xf32, #tpu.memory_space<vmem>>
        %dma_wait3A_199 = tpu.memref_squeeze %dma_wait3A_198 : memref<1x26x128xf32, #tpu.memory_space<vmem>> -> memref<26x128xf32, #tpu.memory_space<vmem>>
        %dma_wait3A_200 = arith.constant 0 : i32
        %dma_wait3A_201 = tpu.memref_slice %arg9[%dma_wait3A_194, %dma_wait3A_200] : memref<128x26xi32, #tpu.memory_space<vmem>> -> memref<1x26xi32, #tpu.memory_space<vmem>>
        %dma_wait3A_202 = tpu.memref_squeeze %dma_wait3A_201 : memref<1x26xi32, #tpu.memory_space<vmem>> -> memref<26xi32, #tpu.memory_space<vmem>>
        %dma_wait3A_203 = arith.constant 0 : i32
        %dma_wait3A_204 = arith.constant 0 : i32
        %dma_wait3A_205 = tpu.memref_slice %arg8[%dma_wait3A_203, %dma_wait3A_204] : memref<1024x128xf32, #tpu.memory_space<vmem_shared>> -> memref<1024x128xf32, #tpu.memory_space<vmem_shared>>
        tpu.wait_indirect_dma semaphore(%arg17 : memref<!tpu.dma_semaphore, #tpu.memory_space<semaphore_mem>>) src(%dma_wait3A_205 : memref<1024x128xf32, #tpu.memory_space<vmem_shared>>) dst(%dma_wait3A_199 : memref<26x128xf32, #tpu.memory_space<vmem>>)
        %dma_wait3A_206 = arith.constant 0 : i32
        %dma_wait3A_207 = arith.constant 1 : i32
        %dma_wait3A_208 = arith.constant 0 : i32
        %dma_wait3A_209 = arith.constant 0 : i32
        %dma_wait3A_210 = tpu.memref_slice %arg14[%dma_wait3A_207, %dma_wait3A_208, %dma_wait3A_209] : memref<8x26x128xf32, #tpu.memory_space<vmem>> -> memref<1x26x128xf32, #tpu.memory_space<vmem>>
        %dma_wait3A_211 = tpu.memref_squeeze %dma_wait3A_210 : memref<1x26x128xf32, #tpu.memory_space<vmem>> -> memref<26x128xf32, #tpu.memory_space<vmem>>
        %dma_wait3A_212 = arith.constant 0 : i32
        %dma_wait3A_213 = tpu.memref_slice %arg9[%dma_wait3A_206, %dma_wait3A_212] : memref<128x26xi32, #tpu.memory_space<vmem>> -> memref<1x26xi32, #tpu.memory_space<vmem>>
        %dma_wait3A_214 = tpu.memref_squeeze %dma_wait3A_213 : memref<1x26xi32, #tpu.memory_space<vmem>> -> memref<26xi32, #tpu.memory_space<vmem>>
        %dma_wait3A_215 = arith.constant 0 : i32
        %dma_wait3A_216 = arith.constant 0 : i32
        %dma_wait3A_217 = tpu.memref_slice %arg8[%dma_wait3A_215, %dma_wait3A_216] : memref<1024x128xf32, #tpu.memory_space<vmem_shared>> -> memref<1024x128xf32, #tpu.memory_space<vmem_shared>>
        tpu.wait_indirect_dma semaphore(%arg17 : memref<!tpu.dma_semaphore, #tpu.memory_space<semaphore_mem>>) src(%dma_wait3A_217 : memref<1024x128xf32, #tpu.memory_space<vmem_shared>>) dst(%dma_wait3A_211 : memref<26x128xf32, #tpu.memory_space<vmem>>)
        %dma_wait3A_218 = arith.constant 0 : i32
        %dma_wait3A_219 = arith.constant 2 : i32
        %dma_wait3A_220 = arith.constant 0 : i32
        %dma_wait3A_221 = arith.constant 0 : i32
        %dma_wait3A_222 = tpu.memref_slice %arg14[%dma_wait3A_219, %dma_wait3A_220, %dma_wait3A_221] : memref<8x26x128xf32, #tpu.memory_space<vmem>> -> memref<1x26x128xf32, #tpu.memory_space<vmem>>
        %dma_wait3A_223 = tpu.memref_squeeze %dma_wait3A_222 : memref<1x26x128xf32, #tpu.memory_space<vmem>> -> memref<26x128xf32, #tpu.memory_space<vmem>>
        %dma_wait3A_224 = arith.constant 0 : i32
        %dma_wait3A_225 = tpu.memref_slice %arg9[%dma_wait3A_218, %dma_wait3A_224] : memref<128x26xi32, #tpu.memory_space<vmem>> -> memref<1x26xi32, #tpu.memory_space<vmem>>
        %dma_wait3A_226 = tpu.memref_squeeze %dma_wait3A_225 : memref<1x26xi32, #tpu.memory_space<vmem>> -> memref<26xi32, #tpu.memory_space<vmem>>
        %dma_wait3A_227 = arith.constant 0 : i32
        %dma_wait3A_228 = arith.constant 0 : i32
        %dma_wait3A_229 = tpu.memref_slice %arg8[%dma_wait3A_227, %dma_wait3A_228] : memref<1024x128xf32, #tpu.memory_space<vmem_shared>> -> memref<1024x128xf32, #tpu.memory_space<vmem_shared>>
        tpu.wait_indirect_dma semaphore(%arg17 : memref<!tpu.dma_semaphore, #tpu.memory_space<semaphore_mem>>) src(%dma_wait3A_229 : memref<1024x128xf32, #tpu.memory_space<vmem_shared>>) dst(%dma_wait3A_223 : memref<26x128xf32, #tpu.memory_space<vmem>>)
        %dma_wait3A_230 = arith.constant 0 : i32
        %dma_wait3A_231 = arith.constant 3 : i32
        %dma_wait3A_232 = arith.constant 0 : i32
        %dma_wait3A_233 = arith.constant 0 : i32
        %dma_wait3A_234 = tpu.memref_slice %arg14[%dma_wait3A_231, %dma_wait3A_232, %dma_wait3A_233] : memref<8x26x128xf32, #tpu.memory_space<vmem>> -> memref<1x26x128xf32, #tpu.memory_space<vmem>>
        %dma_wait3A_235 = tpu.memref_squeeze %dma_wait3A_234 : memref<1x26x128xf32, #tpu.memory_space<vmem>> -> memref<26x128xf32, #tpu.memory_space<vmem>>
        %dma_wait3A_236 = arith.constant 0 : i32
        %dma_wait3A_237 = tpu.memref_slice %arg9[%dma_wait3A_230, %dma_wait3A_236] : memref<128x26xi32, #tpu.memory_space<vmem>> -> memref<1x26xi32, #tpu.memory_space<vmem>>
        %dma_wait3A_238 = tpu.memref_squeeze %dma_wait3A_237 : memref<1x26xi32, #tpu.memory_space<vmem>> -> memref<26xi32, #tpu.memory_space<vmem>>
        %dma_wait3A_239 = arith.constant 0 : i32
        %dma_wait3A_240 = arith.constant 0 : i32
        %dma_wait3A_241 = tpu.memref_slice %arg8[%dma_wait3A_239, %dma_wait3A_240] : memref<1024x128xf32, #tpu.memory_space<vmem_shared>> -> memref<1024x128xf32, #tpu.memory_space<vmem_shared>>
        tpu.wait_indirect_dma semaphore(%arg17 : memref<!tpu.dma_semaphore, #tpu.memory_space<semaphore_mem>>) src(%dma_wait3A_241 : memref<1024x128xf32, #tpu.memory_space<vmem_shared>>) dst(%dma_wait3A_235 : memref<26x128xf32, #tpu.memory_space<vmem>>)
        %dma_wait3A_242 = arith.constant 0 : i32
        %dma_wait3A_243 = arith.constant 4 : i32
        %dma_wait3A_244 = arith.constant 0 : i32
        %dma_wait3A_245 = arith.constant 0 : i32
        %dma_wait3A_246 = tpu.memref_slice %arg14[%dma_wait3A_243, %dma_wait3A_244, %dma_wait3A_245] : memref<8x26x128xf32, #tpu.memory_space<vmem>> -> memref<1x26x128xf32, #tpu.memory_space<vmem>>
        %dma_wait3A_247 = tpu.memref_squeeze %dma_wait3A_246 : memref<1x26x128xf32, #tpu.memory_space<vmem>> -> memref<26x128xf32, #tpu.memory_space<vmem>>
        %dma_wait3A_248 = arith.constant 0 : i32
        %dma_wait3A_249 = tpu.memref_slice %arg9[%dma_wait3A_242, %dma_wait3A_248] : memref<128x26xi32, #tpu.memory_space<vmem>> -> memref<1x26xi32, #tpu.memory_space<vmem>>
        %dma_wait3A_250 = tpu.memref_squeeze %dma_wait3A_249 : memref<1x26xi32, #tpu.memory_space<vmem>> -> memref<26xi32, #tpu.memory_space<vmem>>
        %dma_wait3A_251 = arith.constant 0 : i32
        %dma_wait3A_252 = arith.constant 0 : i32
        %dma_wait3A_253 = tpu.memref_slice %arg8[%dma_wait3A_251, %dma_wait3A_252] : memref<1024x128xf32, #tpu.memory_space<vmem_shared>> -> memref<1024x128xf32, #tpu.memory_space<vmem_shared>>
        tpu.wait_indirect_dma semaphore(%arg17 : memref<!tpu.dma_semaphore, #tpu.memory_space<semaphore_mem>>) src(%dma_wait3A_253 : memref<1024x128xf32, #tpu.memory_space<vmem_shared>>) dst(%dma_wait3A_247 : memref<26x128xf32, #tpu.memory_space<vmem>>)
        %dma_wait3A_254 = arith.constant 0 : i32
        %dma_wait3A_255 = arith.constant 5 : i32
        %dma_wait3A_256 = arith.constant 0 : i32
        %dma_wait3A_257 = arith.constant 0 : i32
        %dma_wait3A_258 = tpu.memref_slice %arg14[%dma_wait3A_255, %dma_wait3A_256, %dma_wait3A_257] : memref<8x26x128xf32, #tpu.memory_space<vmem>> -> memref<1x26x128xf32, #tpu.memory_space<vmem>>
        %dma_wait3A_259 = tpu.memref_squeeze %dma_wait3A_258 : memref<1x26x128xf32, #tpu.memory_space<vmem>> -> memref<26x128xf32, #tpu.memory_space<vmem>>
        %dma_wait3A_260 = arith.constant 0 : i32
        %dma_wait3A_261 = tpu.memref_slice %arg9[%dma_wait3A_254, %dma_wait3A_260] : memref<128x26xi32, #tpu.memory_space<vmem>> -> memref<1x26xi32, #tpu.memory_space<vmem>>
        %dma_wait3A_262 = tpu.memref_squeeze %dma_wait3A_261 : memref<1x26xi32, #tpu.memory_space<vmem>> -> memref<26xi32, #tpu.memory_space<vmem>>
        %dma_wait3A_263 = arith.constant 0 : i32
        %dma_wait3A_264 = arith.constant 0 : i32
        %dma_wait3A_265 = tpu.memref_slice %arg8[%dma_wait3A_263, %dma_wait3A_264] : memref<1024x128xf32, #tpu.memory_space<vmem_shared>> -> memref<1024x128xf32, #tpu.memory_space<vmem_shared>>
        tpu.wait_indirect_dma semaphore(%arg17 : memref<!tpu.dma_semaphore, #tpu.memory_space<semaphore_mem>>) src(%dma_wait3A_265 : memref<1024x128xf32, #tpu.memory_space<vmem_shared>>) dst(%dma_wait3A_259 : memref<26x128xf32, #tpu.memory_space<vmem>>)
        %dma_wait3A_266 = arith.constant 0 : i32
        %dma_wait3A_267 = arith.constant 6 : i32
        %dma_wait3A_268 = arith.constant 0 : i32
        %dma_wait3A_269 = arith.constant 0 : i32
        %dma_wait3A_270 = tpu.memref_slice %arg14[%dma_wait3A_267, %dma_wait3A_268, %dma_wait3A_269] : memref<8x26x128xf32, #tpu.memory_space<vmem>> -> memref<1x26x128xf32, #tpu.memory_space<vmem>>
        %dma_wait3A_271 = tpu.memref_squeeze %dma_wait3A_270 : memref<1x26x128xf32, #tpu.memory_space<vmem>> -> memref<26x128xf32, #tpu.memory_space<vmem>>
        %dma_wait3A_272 = arith.constant 0 : i32
        %dma_wait3A_273 = tpu.memref_slice %arg9[%dma_wait3A_266, %dma_wait3A_272] : memref<128x26xi32, #tpu.memory_space<vmem>> -> memref<1x26xi32, #tpu.memory_space<vmem>>
        %dma_wait3A_274 = tpu.memref_squeeze %dma_wait3A_273 : memref<1x26xi32, #tpu.memory_space<vmem>> -> memref<26xi32, #tpu.memory_space<vmem>>
        %dma_wait3A_275 = arith.constant 0 : i32
        %dma_wait3A_276 = arith.constant 0 : i32
        %dma_wait3A_277 = tpu.memref_slice %arg8[%dma_wait3A_275, %dma_wait3A_276] : memref<1024x128xf32, #tpu.memory_space<vmem_shared>> -> memref<1024x128xf32, #tpu.memory_space<vmem_shared>>
        tpu.wait_indirect_dma semaphore(%arg17 : memref<!tpu.dma_semaphore, #tpu.memory_space<semaphore_mem>>) src(%dma_wait3A_277 : memref<1024x128xf32, #tpu.memory_space<vmem_shared>>) dst(%dma_wait3A_271 : memref<26x128xf32, #tpu.memory_space<vmem>>)
        %dma_wait3A_278 = arith.constant 0 : i32
        %dma_wait3A_279 = arith.constant 7 : i32
        %dma_wait3A_280 = arith.constant 0 : i32
        %dma_wait3A_281 = arith.constant 0 : i32
        %dma_wait3A_282 = tpu.memref_slice %arg14[%dma_wait3A_279, %dma_wait3A_280, %dma_wait3A_281] : memref<8x26x128xf32, #tpu.memory_space<vmem>> -> memref<1x26x128xf32, #tpu.memory_space<vmem>>
        %dma_wait3A_283 = tpu.memref_squeeze %dma_wait3A_282 : memref<1x26x128xf32, #tpu.memory_space<vmem>> -> memref<26x128xf32, #tpu.memory_space<vmem>>
        %dma_wait3A_284 = arith.constant 0 : i32
        %dma_wait3A_285 = tpu.memref_slice %arg9[%dma_wait3A_278, %dma_wait3A_284] : memref<128x26xi32, #tpu.memory_space<vmem>> -> memref<1x26xi32, #tpu.memory_space<vmem>>
        %dma_wait3A_286 = tpu.memref_squeeze %dma_wait3A_285 : memref<1x26xi32, #tpu.memory_space<vmem>> -> memref<26xi32, #tpu.memory_space<vmem>>
        %dma_wait3A_287 = arith.constant 0 : i32
        %dma_wait3A_288 = arith.constant 0 : i32
        %dma_wait3A_289 = tpu.memref_slice %arg8[%dma_wait3A_287, %dma_wait3A_288] : memref<1024x128xf32, #tpu.memory_space<vmem_shared>> -> memref<1024x128xf32, #tpu.memory_space<vmem_shared>>
        tpu.wait_indirect_dma semaphore(%arg17 : memref<!tpu.dma_semaphore, #tpu.memory_space<semaphore_mem>>) src(%dma_wait3A_289 : memref<1024x128xf32, #tpu.memory_space<vmem_shared>>) dst(%dma_wait3A_283 : memref<26x128xf32, #tpu.memory_space<vmem>>)
        %mul3A_290 = arith.constant 8 : i32
        %mul3A_291 = arith.muli %sub3A_193, %mul3A_290 : i32
        %add3A_292 = arith.addi %mul3A_2, %mul3A_291 : i32
        %dma_start3A_293 = arith.constant 0 : i32
        %dma_start3A_294 = arith.constant 0 : i32
        %dma_start3A_295 = tpu.memref_slice %arg7[%add3A_292, %dma_start3A_293, %dma_start3A_294] : memref<4096x26x128xf32, #tpu.memory_space<hbm>> -> memref<8x26x128xf32, #tpu.memory_space<hbm>>
        %dma_start3A_296 = arith.constant 0 : i32
        %dma_start3A_297 = arith.constant 0 : i32
        %dma_start3A_298 = tpu.memref_slice %arg7[%add3A_292, %dma_start3A_296, %dma_start3A_297] : memref<4096x26x128xf32, #tpu.memory_space<hbm>> -> memref<8x26x128xf32, #tpu.memory_space<hbm>>
        tpu.enqueue_dma source(%arg14 : memref<8x26x128xf32, #tpu.memory_space<vmem>>) target(%dma_start3A_298 : memref<8x26x128xf32, #tpu.memory_space<hbm>>) target_semaphore(%arg19 : memref<!tpu.dma_semaphore, #tpu.memory_space<semaphore_mem>>)
      } else {
      }
      %mul3A_166 = arith.constant 2 : i32
      %mul3A_167 = arith.muli %scan3A_142, %mul3A_166 : i32
      %add3A_168 = arith.constant 1 : i32
      %add3A_169 = arith.addi %mul3A_167, %add3A_168 : i32
      %add3A_170 = arith.constant 1 : i32
      %add3A_171 = arith.addi %add3A_169, %add3A_170 : i32
      %ge3A_172 = arith.constant 2 : i32
      %ge3A_173 = arith.cmpi sge, %add3A_171, %ge3A_172 : i32
      %lt3A_174 = arith.constant 16 : i32
      %lt3A_175 = arith.cmpi slt, %add3A_171, %lt3A_174 : i32
      %and3A_176 = arith.andi %ge3A_173, %lt3A_175 : i1
      %convert_element_type3A_177 = arith.extui %and3A_176 : i1 to i32
      %cond3A_178 = arith.constant 0 : i32
      %cond3A_179 = arith.cmpi ne, %convert_element_type3A_177, %cond3A_178 : i32
      scf.if %cond3A_179 {
        %dma_wait3A_192 = arith.constant 0 : i32
        %dma_wait3A_193 = arith.constant 0 : i32
        %dma_wait3A_194 = arith.constant 0 : i32
        %dma_wait3A_195 = tpu.memref_slice %arg7[%dma_wait3A_192, %dma_wait3A_193, %dma_wait3A_194] : memref<4096x26x128xf32, #tpu.memory_space<hbm>> -> memref<8x26x128xf32, #tpu.memory_space<hbm>>
        %dma_wait3A_196 = arith.constant 0 : i32
        %dma_wait3A_197 = arith.constant 0 : i32
        %dma_wait3A_198 = arith.constant 0 : i32
        %dma_wait3A_199 = tpu.memref_slice %arg7[%dma_wait3A_196, %dma_wait3A_197, %dma_wait3A_198] : memref<4096x26x128xf32, #tpu.memory_space<hbm>> -> memref<8x26x128xf32, #tpu.memory_space<hbm>>
        tpu.wait_dma2 semaphore(%arg19 : memref<!tpu.dma_semaphore, #tpu.memory_space<semaphore_mem>>) src(%arg14 : memref<8x26x128xf32, #tpu.memory_space<vmem>>) dst(%dma_wait3A_199 : memref<8x26x128xf32, #tpu.memory_space<hbm>>)
      } else {
      }
      %lt3A_180 = arith.constant 16 : i32
      %lt3A_181 = arith.cmpi slt, %add3A_171, %lt3A_180 : i32
      %convert_element_type3A_182 = arith.extui %lt3A_181 : i1 to i32
      %cond3A_183 = arith.constant 0 : i32
      %cond3A_184 = arith.cmpi ne, %convert_element_type3A_182, %cond3A_183 : i32
      scf.if %cond3A_184 {
        %mul3A_192 = arith.constant 8 : i32
        %mul3A_193 = arith.muli %add3A_171, %mul3A_192 : i32
        %add3A_194 = arith.constant 0 : i32
        %add3A_195 = arith.addi %mul3A_193, %add3A_194 : i32
        %dma_start3A_196 = arith.constant 0 : i32
        %dma_start3A_197 = arith.constant 0 : i32
        %dma_start3A_198 = arith.constant 0 : i32
        %dma_start3A_199 = tpu.memref_slice %arg14[%dma_start3A_196, %dma_start3A_197, %dma_start3A_198] : memref<8x26x128xf32, #tpu.memory_space<vmem>> -> memref<1x26x128xf32, #tpu.memory_space<vmem>>
        %dma_start3A_200 = tpu.memref_squeeze %dma_start3A_199 : memref<1x26x128xf32, #tpu.memory_space<vmem>> -> memref<26x128xf32, #tpu.memory_space<vmem>>
        %dma_start3A_201 = arith.constant 0 : i32
        %dma_start3A_202 = tpu.memref_slice %arg9[%add3A_195, %dma_start3A_201] : memref<128x26xi32, #tpu.memory_space<vmem>> -> memref<1x26xi32, #tpu.memory_space<vmem>>
        %dma_start3A_203 = tpu.memref_squeeze %dma_start3A_202 : memref<1x26xi32, #tpu.memory_space<vmem>> -> memref<26xi32, #tpu.memory_space<vmem>>
        %dma_start3A_204 = arith.constant 0 : i32
        %dma_start3A_205 = arith.constant 0 : i32
        %dma_start3A_206 = tpu.memref_slice %arg8[%dma_start3A_204, %dma_start3A_205] : memref<1024x128xf32, #tpu.memory_space<vmem_shared>> -> memref<1024x128xf32, #tpu.memory_space<vmem_shared>>
        tpu.enqueue_indirect_dma source(%dma_start3A_206 : memref<1024x128xf32, #tpu.memory_space<vmem_shared>>) target(%dma_start3A_200 : memref<26x128xf32, #tpu.memory_space<vmem>>) offsets(%dma_start3A_203 : memref<26xi32, #tpu.memory_space<vmem>>) semaphore(%arg17 : memref<!tpu.dma_semaphore, #tpu.memory_space<semaphore_mem>>)
        %mul3A_207 = arith.constant 8 : i32
        %mul3A_208 = arith.muli %add3A_171, %mul3A_207 : i32
        %add3A_209 = arith.constant 1 : i32
        %add3A_210 = arith.addi %mul3A_208, %add3A_209 : i32
        %dma_start3A_211 = arith.constant 1 : i32
        %dma_start3A_212 = arith.constant 0 : i32
        %dma_start3A_213 = arith.constant 0 : i32
        %dma_start3A_214 = tpu.memref_slice %arg14[%dma_start3A_211, %dma_start3A_212, %dma_start3A_213] : memref<8x26x128xf32, #tpu.memory_space<vmem>> -> memref<1x26x128xf32, #tpu.memory_space<vmem>>
        %dma_start3A_215 = tpu.memref_squeeze %dma_start3A_214 : memref<1x26x128xf32, #tpu.memory_space<vmem>> -> memref<26x128xf32, #tpu.memory_space<vmem>>
        %dma_start3A_216 = arith.constant 0 : i32
        %dma_start3A_217 = tpu.memref_slice %arg9[%add3A_210, %dma_start3A_216] : memref<128x26xi32, #tpu.memory_space<vmem>> -> memref<1x26xi32, #tpu.memory_space<vmem>>
        %dma_start3A_218 = tpu.memref_squeeze %dma_start3A_217 : memref<1x26xi32, #tpu.memory_space<vmem>> -> memref<26xi32, #tpu.memory_space<vmem>>
        %dma_start3A_219 = arith.constant 0 : i32
        %dma_start3A_220 = arith.constant 0 : i32
        %dma_start3A_221 = tpu.memref_slice %arg8[%dma_start3A_219, %dma_start3A_220] : memref<1024x128xf32, #tpu.memory_space<vmem_shared>> -> memref<1024x128xf32, #tpu.memory_space<vmem_shared>>
        tpu.enqueue_indirect_dma source(%dma_start3A_221 : memref<1024x128xf32, #tpu.memory_space<vmem_shared>>) target(%dma_start3A_215 : memref<26x128xf32, #tpu.memory_space<vmem>>) offsets(%dma_start3A_218 : memref<26xi32, #tpu.memory_space<vmem>>) semaphore(%arg17 : memref<!tpu.dma_semaphore, #tpu.memory_space<semaphore_mem>>)
        %mul3A_222 = arith.constant 8 : i32
        %mul3A_223 = arith.muli %add3A_171, %mul3A_222 : i32
        %add3A_224 = arith.constant 2 : i32
        %add3A_225 = arith.addi %mul3A_223, %add3A_224 : i32
        %dma_start3A_226 = arith.constant 2 : i32
        %dma_start3A_227 = arith.constant 0 : i32
        %dma_start3A_228 = arith.constant 0 : i32
        %dma_start3A_229 = tpu.memref_slice %arg14[%dma_start3A_226, %dma_start3A_227, %dma_start3A_228] : memref<8x26x128xf32, #tpu.memory_space<vmem>> -> memref<1x26x128xf32, #tpu.memory_space<vmem>>
        %dma_start3A_230 = tpu.memref_squeeze %dma_start3A_229 : memref<1x26x128xf32, #tpu.memory_space<vmem>> -> memref<26x128xf32, #tpu.memory_space<vmem>>
        %dma_start3A_231 = arith.constant 0 : i32
        %dma_start3A_232 = tpu.memref_slice %arg9[%add3A_225, %dma_start3A_231] : memref<128x26xi32, #tpu.memory_space<vmem>> -> memref<1x26xi32, #tpu.memory_space<vmem>>
        %dma_start3A_233 = tpu.memref_squeeze %dma_start3A_232 : memref<1x26xi32, #tpu.memory_space<vmem>> -> memref<26xi32, #tpu.memory_space<vmem>>
        %dma_start3A_234 = arith.constant 0 : i32
        %dma_start3A_235 = arith.constant 0 : i32
        %dma_start3A_236 = tpu.memref_slice %arg8[%dma_start3A_234, %dma_start3A_235] : memref<1024x128xf32, #tpu.memory_space<vmem_shared>> -> memref<1024x128xf32, #tpu.memory_space<vmem_shared>>
        tpu.enqueue_indirect_dma source(%dma_start3A_236 : memref<1024x128xf32, #tpu.memory_space<vmem_shared>>) target(%dma_start3A_230 : memref<26x128xf32, #tpu.memory_space<vmem>>) offsets(%dma_start3A_233 : memref<26xi32, #tpu.memory_space<vmem>>) semaphore(%arg17 : memref<!tpu.dma_semaphore, #tpu.memory_space<semaphore_mem>>)
        %mul3A_237 = arith.constant 8 : i32
        %mul3A_238 = arith.muli %add3A_171, %mul3A_237 : i32
        %add3A_239 = arith.constant 3 : i32
        %add3A_240 = arith.addi %mul3A_238, %add3A_239 : i32
        %dma_start3A_241 = arith.constant 3 : i32
        %dma_start3A_242 = arith.constant 0 : i32
        %dma_start3A_243 = arith.constant 0 : i32
        %dma_start3A_244 = tpu.memref_slice %arg14[%dma_start3A_241, %dma_start3A_242, %dma_start3A_243] : memref<8x26x128xf32, #tpu.memory_space<vmem>> -> memref<1x26x128xf32, #tpu.memory_space<vmem>>
        %dma_start3A_245 = tpu.memref_squeeze %dma_start3A_244 : memref<1x26x128xf32, #tpu.memory_space<vmem>> -> memref<26x128xf32, #tpu.memory_space<vmem>>
        %dma_start3A_246 = arith.constant 0 : i32
        %dma_start3A_247 = tpu.memref_slice %arg9[%add3A_240, %dma_start3A_246] : memref<128x26xi32, #tpu.memory_space<vmem>> -> memref<1x26xi32, #tpu.memory_space<vmem>>
        %dma_start3A_248 = tpu.memref_squeeze %dma_start3A_247 : memref<1x26xi32, #tpu.memory_space<vmem>> -> memref<26xi32, #tpu.memory_space<vmem>>
        %dma_start3A_249 = arith.constant 0 : i32
        %dma_start3A_250 = arith.constant 0 : i32
        %dma_start3A_251 = tpu.memref_slice %arg8[%dma_start3A_249, %dma_start3A_250] : memref<1024x128xf32, #tpu.memory_space<vmem_shared>> -> memref<1024x128xf32, #tpu.memory_space<vmem_shared>>
        tpu.enqueue_indirect_dma source(%dma_start3A_251 : memref<1024x128xf32, #tpu.memory_space<vmem_shared>>) target(%dma_start3A_245 : memref<26x128xf32, #tpu.memory_space<vmem>>) offsets(%dma_start3A_248 : memref<26xi32, #tpu.memory_space<vmem>>) semaphore(%arg17 : memref<!tpu.dma_semaphore, #tpu.memory_space<semaphore_mem>>)
        %mul3A_252 = arith.constant 8 : i32
        %mul3A_253 = arith.muli %add3A_171, %mul3A_252 : i32
        %add3A_254 = arith.constant 4 : i32
        %add3A_255 = arith.addi %mul3A_253, %add3A_254 : i32
        %dma_start3A_256 = arith.constant 4 : i32
        %dma_start3A_257 = arith.constant 0 : i32
        %dma_start3A_258 = arith.constant 0 : i32
        %dma_start3A_259 = tpu.memref_slice %arg14[%dma_start3A_256, %dma_start3A_257, %dma_start3A_258] : memref<8x26x128xf32, #tpu.memory_space<vmem>> -> memref<1x26x128xf32, #tpu.memory_space<vmem>>
        %dma_start3A_260 = tpu.memref_squeeze %dma_start3A_259 : memref<1x26x128xf32, #tpu.memory_space<vmem>> -> memref<26x128xf32, #tpu.memory_space<vmem>>
        %dma_start3A_261 = arith.constant 0 : i32
        %dma_start3A_262 = tpu.memref_slice %arg9[%add3A_255, %dma_start3A_261] : memref<128x26xi32, #tpu.memory_space<vmem>> -> memref<1x26xi32, #tpu.memory_space<vmem>>
        %dma_start3A_263 = tpu.memref_squeeze %dma_start3A_262 : memref<1x26xi32, #tpu.memory_space<vmem>> -> memref<26xi32, #tpu.memory_space<vmem>>
        %dma_start3A_264 = arith.constant 0 : i32
        %dma_start3A_265 = arith.constant 0 : i32
        %dma_start3A_266 = tpu.memref_slice %arg8[%dma_start3A_264, %dma_start3A_265] : memref<1024x128xf32, #tpu.memory_space<vmem_shared>> -> memref<1024x128xf32, #tpu.memory_space<vmem_shared>>
        tpu.enqueue_indirect_dma source(%dma_start3A_266 : memref<1024x128xf32, #tpu.memory_space<vmem_shared>>) target(%dma_start3A_260 : memref<26x128xf32, #tpu.memory_space<vmem>>) offsets(%dma_start3A_263 : memref<26xi32, #tpu.memory_space<vmem>>) semaphore(%arg17 : memref<!tpu.dma_semaphore, #tpu.memory_space<semaphore_mem>>)
        %mul3A_267 = arith.constant 8 : i32
        %mul3A_268 = arith.muli %add3A_171, %mul3A_267 : i32
        %add3A_269 = arith.constant 5 : i32
        %add3A_270 = arith.addi %mul3A_268, %add3A_269 : i32
        %dma_start3A_271 = arith.constant 5 : i32
        %dma_start3A_272 = arith.constant 0 : i32
        %dma_start3A_273 = arith.constant 0 : i32
        %dma_start3A_274 = tpu.memref_slice %arg14[%dma_start3A_271, %dma_start3A_272, %dma_start3A_273] : memref<8x26x128xf32, #tpu.memory_space<vmem>> -> memref<1x26x128xf32, #tpu.memory_space<vmem>>
        %dma_start3A_275 = tpu.memref_squeeze %dma_start3A_274 : memref<1x26x128xf32, #tpu.memory_space<vmem>> -> memref<26x128xf32, #tpu.memory_space<vmem>>
        %dma_start3A_276 = arith.constant 0 : i32
        %dma_start3A_277 = tpu.memref_slice %arg9[%add3A_270, %dma_start3A_276] : memref<128x26xi32, #tpu.memory_space<vmem>> -> memref<1x26xi32, #tpu.memory_space<vmem>>
        %dma_start3A_278 = tpu.memref_squeeze %dma_start3A_277 : memref<1x26xi32, #tpu.memory_space<vmem>> -> memref<26xi32, #tpu.memory_space<vmem>>
        %dma_start3A_279 = arith.constant 0 : i32
        %dma_start3A_280 = arith.constant 0 : i32
        %dma_start3A_281 = tpu.memref_slice %arg8[%dma_start3A_279, %dma_start3A_280] : memref<1024x128xf32, #tpu.memory_space<vmem_shared>> -> memref<1024x128xf32, #tpu.memory_space<vmem_shared>>
        tpu.enqueue_indirect_dma source(%dma_start3A_281 : memref<1024x128xf32, #tpu.memory_space<vmem_shared>>) target(%dma_start3A_275 : memref<26x128xf32, #tpu.memory_space<vmem>>) offsets(%dma_start3A_278 : memref<26xi32, #tpu.memory_space<vmem>>) semaphore(%arg17 : memref<!tpu.dma_semaphore, #tpu.memory_space<semaphore_mem>>)
        %mul3A_282 = arith.constant 8 : i32
        %mul3A_283 = arith.muli %add3A_171, %mul3A_282 : i32
        %add3A_284 = arith.constant 6 : i32
        %add3A_285 = arith.addi %mul3A_283, %add3A_284 : i32
        %dma_start3A_286 = arith.constant 6 : i32
        %dma_start3A_287 = arith.constant 0 : i32
        %dma_start3A_288 = arith.constant 0 : i32
        %dma_start3A_289 = tpu.memref_slice %arg14[%dma_start3A_286, %dma_start3A_287, %dma_start3A_288] : memref<8x26x128xf32, #tpu.memory_space<vmem>> -> memref<1x26x128xf32, #tpu.memory_space<vmem>>
        %dma_start3A_290 = tpu.memref_squeeze %dma_start3A_289 : memref<1x26x128xf32, #tpu.memory_space<vmem>> -> memref<26x128xf32, #tpu.memory_space<vmem>>
        %dma_start3A_291 = arith.constant 0 : i32
        %dma_start3A_292 = tpu.memref_slice %arg9[%add3A_285, %dma_start3A_291] : memref<128x26xi32, #tpu.memory_space<vmem>> -> memref<1x26xi32, #tpu.memory_space<vmem>>
        %dma_start3A_293 = tpu.memref_squeeze %dma_start3A_292 : memref<1x26xi32, #tpu.memory_space<vmem>> -> memref<26xi32, #tpu.memory_space<vmem>>
        %dma_start3A_294 = arith.constant 0 : i32
        %dma_start3A_295 = arith.constant 0 : i32
        %dma_start3A_296 = tpu.memref_slice %arg8[%dma_start3A_294, %dma_start3A_295] : memref<1024x128xf32, #tpu.memory_space<vmem_shared>> -> memref<1024x128xf32, #tpu.memory_space<vmem_shared>>
        tpu.enqueue_indirect_dma source(%dma_start3A_296 : memref<1024x128xf32, #tpu.memory_space<vmem_shared>>) target(%dma_start3A_290 : memref<26x128xf32, #tpu.memory_space<vmem>>) offsets(%dma_start3A_293 : memref<26xi32, #tpu.memory_space<vmem>>) semaphore(%arg17 : memref<!tpu.dma_semaphore, #tpu.memory_space<semaphore_mem>>)
        %mul3A_297 = arith.constant 8 : i32
        %mul3A_298 = arith.muli %add3A_171, %mul3A_297 : i32
        %add3A_299 = arith.constant 7 : i32
        %add3A_300 = arith.addi %mul3A_298, %add3A_299 : i32
        %dma_start3A_301 = arith.constant 7 : i32
        %dma_start3A_302 = arith.constant 0 : i32
        %dma_start3A_303 = arith.constant 0 : i32
        %dma_start3A_304 = tpu.memref_slice %arg14[%dma_start3A_301, %dma_start3A_302, %dma_start3A_303] : memref<8x26x128xf32, #tpu.memory_space<vmem>> -> memref<1x26x128xf32, #tpu.memory_space<vmem>>
        %dma_start3A_305 = tpu.memref_squeeze %dma_start3A_304 : memref<1x26x128xf32, #tpu.memory_space<vmem>> -> memref<26x128xf32, #tpu.memory_space<vmem>>
        %dma_start3A_306 = arith.constant 0 : i32
        %dma_start3A_307 = tpu.memref_slice %arg9[%add3A_300, %dma_start3A_306] : memref<128x26xi32, #tpu.memory_space<vmem>> -> memref<1x26xi32, #tpu.memory_space<vmem>>
        %dma_start3A_308 = tpu.memref_squeeze %dma_start3A_307 : memref<1x26xi32, #tpu.memory_space<vmem>> -> memref<26xi32, #tpu.memory_space<vmem>>
        %dma_start3A_309 = arith.constant 0 : i32
        %dma_start3A_310 = arith.constant 0 : i32
        %dma_start3A_311 = tpu.memref_slice %arg8[%dma_start3A_309, %dma_start3A_310] : memref<1024x128xf32, #tpu.memory_space<vmem_shared>> -> memref<1024x128xf32, #tpu.memory_space<vmem_shared>>
        tpu.enqueue_indirect_dma source(%dma_start3A_311 : memref<1024x128xf32, #tpu.memory_space<vmem_shared>>) target(%dma_start3A_305 : memref<26x128xf32, #tpu.memory_space<vmem>>) offsets(%dma_start3A_308 : memref<26xi32, #tpu.memory_space<vmem>>) semaphore(%arg17 : memref<!tpu.dma_semaphore, #tpu.memory_space<semaphore_mem>>)
      } else {
      }
      %sub3A_185 = arith.constant 1 : i32
      %sub3A_186 = arith.subi %add3A_171, %sub3A_185 : i32
      %lt3A_187 = arith.constant 16 : i32
      %lt3A_188 = arith.cmpi slt, %sub3A_186, %lt3A_187 : i32
      %convert_element_type3A_189 = arith.extui %lt3A_188 : i1 to i32
      %cond3A_190 = arith.constant 0 : i32
      %cond3A_191 = arith.cmpi ne, %convert_element_type3A_189, %cond3A_190 : i32
      scf.if %cond3A_191 {
        %sub3A_192 = arith.constant 1 : i32
        %sub3A_193 = arith.subi %add3A_171, %sub3A_192 : i32
        %dma_wait3A_194 = arith.constant 0 : i32
        %dma_wait3A_195 = arith.constant 0 : i32
        %dma_wait3A_196 = arith.constant 0 : i32
        %dma_wait3A_197 = arith.constant 0 : i32
        %dma_wait3A_198 = tpu.memref_slice %arg15[%dma_wait3A_195, %dma_wait3A_196, %dma_wait3A_197] : memref<8x26x128xf32, #tpu.memory_space<vmem>> -> memref<1x26x128xf32, #tpu.memory_space<vmem>>
        %dma_wait3A_199 = tpu.memref_squeeze %dma_wait3A_198 : memref<1x26x128xf32, #tpu.memory_space<vmem>> -> memref<26x128xf32, #tpu.memory_space<vmem>>
        %dma_wait3A_200 = arith.constant 0 : i32
        %dma_wait3A_201 = tpu.memref_slice %arg9[%dma_wait3A_194, %dma_wait3A_200] : memref<128x26xi32, #tpu.memory_space<vmem>> -> memref<1x26xi32, #tpu.memory_space<vmem>>
        %dma_wait3A_202 = tpu.memref_squeeze %dma_wait3A_201 : memref<1x26xi32, #tpu.memory_space<vmem>> -> memref<26xi32, #tpu.memory_space<vmem>>
        %dma_wait3A_203 = arith.constant 0 : i32
        %dma_wait3A_204 = arith.constant 0 : i32
        %dma_wait3A_205 = tpu.memref_slice %arg8[%dma_wait3A_203, %dma_wait3A_204] : memref<1024x128xf32, #tpu.memory_space<vmem_shared>> -> memref<1024x128xf32, #tpu.memory_space<vmem_shared>>
        tpu.wait_indirect_dma semaphore(%arg18 : memref<!tpu.dma_semaphore, #tpu.memory_space<semaphore_mem>>) src(%dma_wait3A_205 : memref<1024x128xf32, #tpu.memory_space<vmem_shared>>) dst(%dma_wait3A_199 : memref<26x128xf32, #tpu.memory_space<vmem>>)
        %dma_wait3A_206 = arith.constant 0 : i32
        %dma_wait3A_207 = arith.constant 1 : i32
        %dma_wait3A_208 = arith.constant 0 : i32
        %dma_wait3A_209 = arith.constant 0 : i32
        %dma_wait3A_210 = tpu.memref_slice %arg15[%dma_wait3A_207, %dma_wait3A_208, %dma_wait3A_209] : memref<8x26x128xf32, #tpu.memory_space<vmem>> -> memref<1x26x128xf32, #tpu.memory_space<vmem>>
        %dma_wait3A_211 = tpu.memref_squeeze %dma_wait3A_210 : memref<1x26x128xf32, #tpu.memory_space<vmem>> -> memref<26x128xf32, #tpu.memory_space<vmem>>
        %dma_wait3A_212 = arith.constant 0 : i32
        %dma_wait3A_213 = tpu.memref_slice %arg9[%dma_wait3A_206, %dma_wait3A_212] : memref<128x26xi32, #tpu.memory_space<vmem>> -> memref<1x26xi32, #tpu.memory_space<vmem>>
        %dma_wait3A_214 = tpu.memref_squeeze %dma_wait3A_213 : memref<1x26xi32, #tpu.memory_space<vmem>> -> memref<26xi32, #tpu.memory_space<vmem>>
        %dma_wait3A_215 = arith.constant 0 : i32
        %dma_wait3A_216 = arith.constant 0 : i32
        %dma_wait3A_217 = tpu.memref_slice %arg8[%dma_wait3A_215, %dma_wait3A_216] : memref<1024x128xf32, #tpu.memory_space<vmem_shared>> -> memref<1024x128xf32, #tpu.memory_space<vmem_shared>>
        tpu.wait_indirect_dma semaphore(%arg18 : memref<!tpu.dma_semaphore, #tpu.memory_space<semaphore_mem>>) src(%dma_wait3A_217 : memref<1024x128xf32, #tpu.memory_space<vmem_shared>>) dst(%dma_wait3A_211 : memref<26x128xf32, #tpu.memory_space<vmem>>)
        %dma_wait3A_218 = arith.constant 0 : i32
        %dma_wait3A_219 = arith.constant 2 : i32
        %dma_wait3A_220 = arith.constant 0 : i32
        %dma_wait3A_221 = arith.constant 0 : i32
        %dma_wait3A_222 = tpu.memref_slice %arg15[%dma_wait3A_219, %dma_wait3A_220, %dma_wait3A_221] : memref<8x26x128xf32, #tpu.memory_space<vmem>> -> memref<1x26x128xf32, #tpu.memory_space<vmem>>
        %dma_wait3A_223 = tpu.memref_squeeze %dma_wait3A_222 : memref<1x26x128xf32, #tpu.memory_space<vmem>> -> memref<26x128xf32, #tpu.memory_space<vmem>>
        %dma_wait3A_224 = arith.constant 0 : i32
        %dma_wait3A_225 = tpu.memref_slice %arg9[%dma_wait3A_218, %dma_wait3A_224] : memref<128x26xi32, #tpu.memory_space<vmem>> -> memref<1x26xi32, #tpu.memory_space<vmem>>
        %dma_wait3A_226 = tpu.memref_squeeze %dma_wait3A_225 : memref<1x26xi32, #tpu.memory_space<vmem>> -> memref<26xi32, #tpu.memory_space<vmem>>
        %dma_wait3A_227 = arith.constant 0 : i32
        %dma_wait3A_228 = arith.constant 0 : i32
        %dma_wait3A_229 = tpu.memref_slice %arg8[%dma_wait3A_227, %dma_wait3A_228] : memref<1024x128xf32, #tpu.memory_space<vmem_shared>> -> memref<1024x128xf32, #tpu.memory_space<vmem_shared>>
        tpu.wait_indirect_dma semaphore(%arg18 : memref<!tpu.dma_semaphore, #tpu.memory_space<semaphore_mem>>) src(%dma_wait3A_229 : memref<1024x128xf32, #tpu.memory_space<vmem_shared>>) dst(%dma_wait3A_223 : memref<26x128xf32, #tpu.memory_space<vmem>>)
        %dma_wait3A_230 = arith.constant 0 : i32
        %dma_wait3A_231 = arith.constant 3 : i32
        %dma_wait3A_232 = arith.constant 0 : i32
        %dma_wait3A_233 = arith.constant 0 : i32
        %dma_wait3A_234 = tpu.memref_slice %arg15[%dma_wait3A_231, %dma_wait3A_232, %dma_wait3A_233] : memref<8x26x128xf32, #tpu.memory_space<vmem>> -> memref<1x26x128xf32, #tpu.memory_space<vmem>>
        %dma_wait3A_235 = tpu.memref_squeeze %dma_wait3A_234 : memref<1x26x128xf32, #tpu.memory_space<vmem>> -> memref<26x128xf32, #tpu.memory_space<vmem>>
        %dma_wait3A_236 = arith.constant 0 : i32
        %dma_wait3A_237 = tpu.memref_slice %arg9[%dma_wait3A_230, %dma_wait3A_236] : memref<128x26xi32, #tpu.memory_space<vmem>> -> memref<1x26xi32, #tpu.memory_space<vmem>>
        %dma_wait3A_238 = tpu.memref_squeeze %dma_wait3A_237 : memref<1x26xi32, #tpu.memory_space<vmem>> -> memref<26xi32, #tpu.memory_space<vmem>>
        %dma_wait3A_239 = arith.constant 0 : i32
        %dma_wait3A_240 = arith.constant 0 : i32
        %dma_wait3A_241 = tpu.memref_slice %arg8[%dma_wait3A_239, %dma_wait3A_240] : memref<1024x128xf32, #tpu.memory_space<vmem_shared>> -> memref<1024x128xf32, #tpu.memory_space<vmem_shared>>
        tpu.wait_indirect_dma semaphore(%arg18 : memref<!tpu.dma_semaphore, #tpu.memory_space<semaphore_mem>>) src(%dma_wait3A_241 : memref<1024x128xf32, #tpu.memory_space<vmem_shared>>) dst(%dma_wait3A_235 : memref<26x128xf32, #tpu.memory_space<vmem>>)
        %dma_wait3A_242 = arith.constant 0 : i32
        %dma_wait3A_243 = arith.constant 4 : i32
        %dma_wait3A_244 = arith.constant 0 : i32
        %dma_wait3A_245 = arith.constant 0 : i32
        %dma_wait3A_246 = tpu.memref_slice %arg15[%dma_wait3A_243, %dma_wait3A_244, %dma_wait3A_245] : memref<8x26x128xf32, #tpu.memory_space<vmem>> -> memref<1x26x128xf32, #tpu.memory_space<vmem>>
        %dma_wait3A_247 = tpu.memref_squeeze %dma_wait3A_246 : memref<1x26x128xf32, #tpu.memory_space<vmem>> -> memref<26x128xf32, #tpu.memory_space<vmem>>
        %dma_wait3A_248 = arith.constant 0 : i32
        %dma_wait3A_249 = tpu.memref_slice %arg9[%dma_wait3A_242, %dma_wait3A_248] : memref<128x26xi32, #tpu.memory_space<vmem>> -> memref<1x26xi32, #tpu.memory_space<vmem>>
        %dma_wait3A_250 = tpu.memref_squeeze %dma_wait3A_249 : memref<1x26xi32, #tpu.memory_space<vmem>> -> memref<26xi32, #tpu.memory_space<vmem>>
        %dma_wait3A_251 = arith.constant 0 : i32
        %dma_wait3A_252 = arith.constant 0 : i32
        %dma_wait3A_253 = tpu.memref_slice %arg8[%dma_wait3A_251, %dma_wait3A_252] : memref<1024x128xf32, #tpu.memory_space<vmem_shared>> -> memref<1024x128xf32, #tpu.memory_space<vmem_shared>>
        tpu.wait_indirect_dma semaphore(%arg18 : memref<!tpu.dma_semaphore, #tpu.memory_space<semaphore_mem>>) src(%dma_wait3A_253 : memref<1024x128xf32, #tpu.memory_space<vmem_shared>>) dst(%dma_wait3A_247 : memref<26x128xf32, #tpu.memory_space<vmem>>)
        %dma_wait3A_254 = arith.constant 0 : i32
        %dma_wait3A_255 = arith.constant 5 : i32
        %dma_wait3A_256 = arith.constant 0 : i32
        %dma_wait3A_257 = arith.constant 0 : i32
        %dma_wait3A_258 = tpu.memref_slice %arg15[%dma_wait3A_255, %dma_wait3A_256, %dma_wait3A_257] : memref<8x26x128xf32, #tpu.memory_space<vmem>> -> memref<1x26x128xf32, #tpu.memory_space<vmem>>
        %dma_wait3A_259 = tpu.memref_squeeze %dma_wait3A_258 : memref<1x26x128xf32, #tpu.memory_space<vmem>> -> memref<26x128xf32, #tpu.memory_space<vmem>>
        %dma_wait3A_260 = arith.constant 0 : i32
        %dma_wait3A_261 = tpu.memref_slice %arg9[%dma_wait3A_254, %dma_wait3A_260] : memref<128x26xi32, #tpu.memory_space<vmem>> -> memref<1x26xi32, #tpu.memory_space<vmem>>
        %dma_wait3A_262 = tpu.memref_squeeze %dma_wait3A_261 : memref<1x26xi32, #tpu.memory_space<vmem>> -> memref<26xi32, #tpu.memory_space<vmem>>
        %dma_wait3A_263 = arith.constant 0 : i32
        %dma_wait3A_264 = arith.constant 0 : i32
        %dma_wait3A_265 = tpu.memref_slice %arg8[%dma_wait3A_263, %dma_wait3A_264] : memref<1024x128xf32, #tpu.memory_space<vmem_shared>> -> memref<1024x128xf32, #tpu.memory_space<vmem_shared>>
        tpu.wait_indirect_dma semaphore(%arg18 : memref<!tpu.dma_semaphore, #tpu.memory_space<semaphore_mem>>) src(%dma_wait3A_265 : memref<1024x128xf32, #tpu.memory_space<vmem_shared>>) dst(%dma_wait3A_259 : memref<26x128xf32, #tpu.memory_space<vmem>>)
        %dma_wait3A_266 = arith.constant 0 : i32
        %dma_wait3A_267 = arith.constant 6 : i32
        %dma_wait3A_268 = arith.constant 0 : i32
        %dma_wait3A_269 = arith.constant 0 : i32
        %dma_wait3A_270 = tpu.memref_slice %arg15[%dma_wait3A_267, %dma_wait3A_268, %dma_wait3A_269] : memref<8x26x128xf32, #tpu.memory_space<vmem>> -> memref<1x26x128xf32, #tpu.memory_space<vmem>>
        %dma_wait3A_271 = tpu.memref_squeeze %dma_wait3A_270 : memref<1x26x128xf32, #tpu.memory_space<vmem>> -> memref<26x128xf32, #tpu.memory_space<vmem>>
        %dma_wait3A_272 = arith.constant 0 : i32
        %dma_wait3A_273 = tpu.memref_slice %arg9[%dma_wait3A_266, %dma_wait3A_272] : memref<128x26xi32, #tpu.memory_space<vmem>> -> memref<1x26xi32, #tpu.memory_space<vmem>>
        %dma_wait3A_274 = tpu.memref_squeeze %dma_wait3A_273 : memref<1x26xi32, #tpu.memory_space<vmem>> -> memref<26xi32, #tpu.memory_space<vmem>>
        %dma_wait3A_275 = arith.constant 0 : i32
        %dma_wait3A_276 = arith.constant 0 : i32
        %dma_wait3A_277 = tpu.memref_slice %arg8[%dma_wait3A_275, %dma_wait3A_276] : memref<1024x128xf32, #tpu.memory_space<vmem_shared>> -> memref<1024x128xf32, #tpu.memory_space<vmem_shared>>
        tpu.wait_indirect_dma semaphore(%arg18 : memref<!tpu.dma_semaphore, #tpu.memory_space<semaphore_mem>>) src(%dma_wait3A_277 : memref<1024x128xf32, #tpu.memory_space<vmem_shared>>) dst(%dma_wait3A_271 : memref<26x128xf32, #tpu.memory_space<vmem>>)
        %dma_wait3A_278 = arith.constant 0 : i32
        %dma_wait3A_279 = arith.constant 7 : i32
        %dma_wait3A_280 = arith.constant 0 : i32
        %dma_wait3A_281 = arith.constant 0 : i32
        %dma_wait3A_282 = tpu.memref_slice %arg15[%dma_wait3A_279, %dma_wait3A_280, %dma_wait3A_281] : memref<8x26x128xf32, #tpu.memory_space<vmem>> -> memref<1x26x128xf32, #tpu.memory_space<vmem>>
        %dma_wait3A_283 = tpu.memref_squeeze %dma_wait3A_282 : memref<1x26x128xf32, #tpu.memory_space<vmem>> -> memref<26x128xf32, #tpu.memory_space<vmem>>
        %dma_wait3A_284 = arith.constant 0 : i32
        %dma_wait3A_285 = tpu.memref_slice %arg9[%dma_wait3A_278, %dma_wait3A_284] : memref<128x26xi32, #tpu.memory_space<vmem>> -> memref<1x26xi32, #tpu.memory_space<vmem>>
        %dma_wait3A_286 = tpu.memref_squeeze %dma_wait3A_285 : memref<1x26xi32, #tpu.memory_space<vmem>> -> memref<26xi32, #tpu.memory_space<vmem>>
        %dma_wait3A_287 = arith.constant 0 : i32
        %dma_wait3A_288 = arith.constant 0 : i32
        %dma_wait3A_289 = tpu.memref_slice %arg8[%dma_wait3A_287, %dma_wait3A_288] : memref<1024x128xf32, #tpu.memory_space<vmem_shared>> -> memref<1024x128xf32, #tpu.memory_space<vmem_shared>>
        tpu.wait_indirect_dma semaphore(%arg18 : memref<!tpu.dma_semaphore, #tpu.memory_space<semaphore_mem>>) src(%dma_wait3A_289 : memref<1024x128xf32, #tpu.memory_space<vmem_shared>>) dst(%dma_wait3A_283 : memref<26x128xf32, #tpu.memory_space<vmem>>)
        %mul3A_290 = arith.constant 8 : i32
        %mul3A_291 = arith.muli %sub3A_193, %mul3A_290 : i32
        %add3A_292 = arith.addi %mul3A_2, %mul3A_291 : i32
        %dma_start3A_293 = arith.constant 0 : i32
        %dma_start3A_294 = arith.constant 0 : i32
        %dma_start3A_295 = tpu.memref_slice %arg7[%add3A_292, %dma_start3A_293, %dma_start3A_294] : memref<4096x26x128xf32, #tpu.memory_space<hbm>> -> memref<8x26x128xf32, #tpu.memory_space<hbm>>
        %dma_start3A_296 = arith.constant 0 : i32
        %dma_start3A_297 = arith.constant 0 : i32
        %dma_start3A_298 = tpu.memref_slice %arg7[%add3A_292, %dma_start3A_296, %dma_start3A_297] : memref<4096x26x128xf32, #tpu.memory_space<hbm>> -> memref<8x26x128xf32, #tpu.memory_space<hbm>>
        tpu.enqueue_dma source(%arg15 : memref<8x26x128xf32, #tpu.memory_space<vmem>>) target(%dma_start3A_298 : memref<8x26x128xf32, #tpu.memory_space<hbm>>) target_semaphore(%arg20 : memref<!tpu.dma_semaphore, #tpu.memory_space<semaphore_mem>>)
      } else {
      }
    }
    %scan3A_125 = arith.constant 8 : i32
    %dma_wait3A_126 = arith.constant 0 : i32
    %dma_wait3A_127 = arith.constant 0 : i32
    %dma_wait3A_128 = arith.constant 0 : i32
    %dma_wait3A_129 = tpu.memref_slice %arg7[%dma_wait3A_126, %dma_wait3A_127, %dma_wait3A_128] : memref<4096x26x128xf32, #tpu.memory_space<hbm>> -> memref<8x26x128xf32, #tpu.memory_space<hbm>>
    %dma_wait3A_130 = arith.constant 0 : i32
    %dma_wait3A_131 = arith.constant 0 : i32
    %dma_wait3A_132 = arith.constant 0 : i32
    %dma_wait3A_133 = tpu.memref_slice %arg7[%dma_wait3A_130, %dma_wait3A_131, %dma_wait3A_132] : memref<4096x26x128xf32, #tpu.memory_space<hbm>> -> memref<8x26x128xf32, #tpu.memory_space<hbm>>
    tpu.wait_dma2 semaphore(%arg19 : memref<!tpu.dma_semaphore, #tpu.memory_space<semaphore_mem>>) src(%arg14 : memref<8x26x128xf32, #tpu.memory_space<vmem>>) dst(%dma_wait3A_133 : memref<8x26x128xf32, #tpu.memory_space<hbm>>)
    %dma_wait3A_134 = arith.constant 0 : i32
    %dma_wait3A_135 = arith.constant 0 : i32
    %dma_wait3A_136 = arith.constant 0 : i32
    %dma_wait3A_137 = tpu.memref_slice %arg7[%dma_wait3A_134, %dma_wait3A_135, %dma_wait3A_136] : memref<4096x26x128xf32, #tpu.memory_space<hbm>> -> memref<8x26x128xf32, #tpu.memory_space<hbm>>
    %dma_wait3A_138 = arith.constant 0 : i32
    %dma_wait3A_139 = arith.constant 0 : i32
    %dma_wait3A_140 = arith.constant 0 : i32
    %dma_wait3A_141 = tpu.memref_slice %arg7[%dma_wait3A_138, %dma_wait3A_139, %dma_wait3A_140] : memref<4096x26x128xf32, #tpu.memory_space<hbm>> -> memref<8x26x128xf32, #tpu.memory_space<hbm>>
    tpu.wait_dma2 semaphore(%arg20 : memref<!tpu.dma_semaphore, #tpu.memory_space<semaphore_mem>>) src(%arg15 : memref<8x26x128xf32, #tpu.memory_space<vmem>>) dst(%dma_wait3A_141 : memref<8x26x128xf32, #tpu.memory_space<hbm>>)
    return
  }
}

</mosaic_0001>

<sc_bundles>
// kernel: kernel.3.cloned.1.call-start
scs
__scs_entry_jumppad:
0x0: {  	(pc) =	sbr.rel $0x88, $3  }
0x1: {  	(tag) =	ssettag $0x0;
	lr =	simm.s32 $0x1  }
0x2: {  	[smem:$0x3F9C] =	sst lr;
	_ =	strace $0xD0000000  }
0x3: {  	_ = 	snop  }
0x4: {  	_ = 	snop  }
0x5: {  	_ = 	snop  }
0x6: {  	_ = 	snop  }
0x7: {  	_ = 	snop  }
__scs_overlays_trampoline_lowered:
0x8: {  	[smem:$0x3FAB] =	sst s0  }
0x9: {  	[smem:$0x3FAC] =	sst s1  }
0xa: {  	[smem:$0x3FAD] =	sst s2  }
0xb: {  	[smem:$0x3FAE] =	sst s3  }
0xc: {  	[smem:$0x3FAF] =	sst s4  }
0xd: {  	[smem:$0x3FB0] =	sst s5  }
0xe: {  	[smem:$0x3FB1] =	sst s6  }
0xf: {  	[smem:$0x3FB2] =	sst s7  }
0x10: {  	[smem:$0x3FB3] =	sst s8  }
0x11: {  	[smem:$0x3FB4] =	sst s9;
	s0 =	simm.s32 @!p0 $0x0  }
0x12: {  	s1 =	sld [smem:$0x3F9A];
	s0 =	simm.s32 @p0 $0x1  }
0x13: {  	[smem:$0x3FB5] =	sst s0;
	s0 =	simm.s32 @!p1 $0x0  }
0x14: {  	s2 =	sld [smem:$0x3F99];
	s0 =	simm.s32 @p1 $0x1  }
0x15: {  	[smem:$0x3FB6] =	sst s0;
	s0 =	simm.s32 @!p2 $0x0  }
0x16: {  	s3 =	sld [smem:$0x3FDB];
	s0 =	simm.s32 @p2 $0x1  }
0x17: {  	s4 =	simm.s32 $0x1BF5;
	[smem:$0x3FB8] =	sst s0  }
0x18: {  	s0 =	sld [smem:$0x3F9B];
	_ =	swait.ge [sflag:s4], $0x0  }
0x19: {  	s7 =	sld [smem:$0x3F9C]  }
0x1a: {  	s8 =	sadd.s32 $0xFFFFE003, lr  }
0x1b: {  	s9 =	sadd.s32 $0xFFFFFEF7, lr;
	s5 =	simm.s32 $0xFFFFFFFF;
	p2 =	slt.u32 s8, $0xFFFFF086  }
0x1c: {  	p1 =	slt.u32 s9, $0xF7A;
	s5 =	simm.s32 @!p2 $0x0  }
0x1d: {  	s5 =	simm.s32 @p1 $0x1;
	p0 =	seq.s32 s7, s2  }
0x1e: {  	s7 =	smul.u32 @!p0 $0xF7A, s2;
	p2 =	seq.s32 @!p0 s5, $0x0  }
0x1f: {  	s9 =	smul.u32 $0xF7A, s1;
	s8 =	simm.s32 @!p0 $0x1BF5;
	p2 =	por !p2, p0  }
0x20: {  	[sflag:s8] =	ssyncset.s32 @!p0 $0xFFFFF086;
	s6 =	sadd.s32 @!p0 s3, s7;
	s7 =	simm.s32 @!p0 $0x108  }
0x21: {  	s3 =	sadd.s32 s3, s9;
	s6 =	sadd.s32 @!p0 $0x88, s6;
	s7 =	simm.s32 @p2 $0x1082  }
0x22: {  	[simem:s7], [sflag:s8] =	dma.local @!p0 [hbm:s6], $0xF7A  }
0x23: {  	s9 =	sor.u32 $0xD0000000, s2;
	s6 =	simm.s32 $0x108;
	_ =	swait.ge @!p0 [sflag:s8], $0x0  }
0x24: {  	s3 =	sadd.s32 $0x88, s3;
	s6 =	simm.s32 @!p1 $0x1082;
	[sflag:s4] =	ssyncset.s32 $0xFFFFF086  }
0x25: {  	[simem:s6], [sflag:s4] =	dma.local [hbm:s3], $0xF7A  }
0x26: {  	[smem:$0x3F9C] =	sst s1;
	(tag) =	ssettag s2;
	_ =	strace s9  }
0x27: {  	s1 =	sld [smem:$0x3FAC]  }
0x28: {  	s2 =	sld [smem:$0x3FAD]  }
0x29: {  	s4 =	sld [smem:$0x3FAF]  }
0x2a: {  	p0 =	seq.s32 s5, $0x0;
	s5 =	sld [smem:$0x3FB0]  }
0x2b: {  	s6 =	sld [smem:$0x3FB1]  }
0x2c: {  	s7 =	sld [smem:$0x3FB2]  }
0x2d: {  	s3 =	simm.s32 $0x108;
	s8 =	sld [smem:$0x3FB3]  }
0x2e: {  	s3 =	simm.s32 @!p0 $0x1082;
	s9 =	sld [smem:$0x3FB4]  }
0x2f: {  	lr =	sadd.s32 s0, s3;
	s0 =	sld [smem:$0x3FAB]  }
0x30: {  	s3 =	sld [smem:$0x3FAE]  }
0x31: {  	[smem:$0x3FB7] =	sst s10  }
0x32: {  	s10 =	sld [smem:$0x3FB5];
	_ =	sdelay $0x3  }
0x33: {  	p0 =	seq.s32 s10, $0x1;
	s10 =	sld [smem:$0x3FB7];
	_ =	sdelay $0x3  }
0x34: {  	[smem:$0x3FB7] =	sst s10  }
0x35: {  	s10 =	sld [smem:$0x3FB6];
	_ =	sdelay $0x3  }
0x36: {  	p1 =	seq.s32 s10, $0x1;
	s10 =	sld [smem:$0x3FB7];
	_ =	sdelay $0x3  }
0x37: {  	[smem:$0x3FB7] =	sst s10  }
0x38: {  	s10 =	sld [smem:$0x3FB8]  }
0x39: {  	_ = 	snop;
	(pc) =	sbr.ind lr, $3  }
0x3a: {  	_ = 	snop  }
0x3b: {  	_ = 	snop  }
0x3c: {  	p2 =	seq.s32 s10, $0x1;
	s10 =	sld [smem:$0x3FB7]  }
0x3d: {  	_ =	shalt  }
0x3e: {  	_ =	shalt  }
0x3f: {  	_ =	shalt  }
0x40: {  	_ =	shalt  }
0x41: {  	_ =	shalt  }
0x42: {  	_ =	shalt  }
0x43: {  	_ =	shalt  }
0x44: {  	_ =	shalt  }
0x45: {  	_ =	shalt  }
0x46: {  	_ =	shalt  }
0x47: {  	_ =	shalt  }
0x48: {  	_ =	shalt  }
0x49: {  	_ =	shalt  }
0x4a: {  	_ =	shalt  }
0x4b: {  	_ =	shalt  }
0x4c: {  	_ =	shalt  }
0x4d: {  	_ =	shalt  }
0x4e: {  	_ =	shalt  }
0x4f: {  	_ =	shalt  }
0x50: {  	_ =	shalt  }
0x51: {  	_ =	shalt  }
0x52: {  	_ =	shalt  }
0x53: {  	_ =	shalt  }
0x54: {  	_ =	shalt  }
0x55: {  	_ =	shalt  }
0x56: {  	_ =	shalt  }
0x57: {  	_ =	shalt  }
0x58: {  	_ =	shalt  }
0x59: {  	_ =	shalt  }
0x5a: {  	_ =	shalt  }
0x5b: {  	_ =	shalt  }
0x5c: {  	_ =	shalt  }
0x5d: {  	_ =	shalt  }
0x5e: {  	_ =	shalt  }
0x5f: {  	_ =	shalt  }
0x60: {  	_ =	shalt  }
0x61: {  	_ =	shalt  }
0x62: {  	_ =	shalt  }
0x63: {  	_ =	shalt  }
0x64: {  	_ =	shalt  }
0x65: {  	_ =	shalt  }
0x66: {  	_ =	shalt  }
0x67: {  	_ =	shalt  }
0x68: {  	_ =	shalt  }
0x69: {  	_ =	shalt  }
0x6a: {  	_ =	shalt  }
0x6b: {  	_ =	shalt  }
0x6c: {  	_ =	shalt  }
0x6d: {  	_ =	shalt  }
0x6e: {  	_ =	shalt  }
0x6f: {  	_ =	shalt  }
0x70: {  	_ =	shalt  }
0x71: {  	_ =	shalt  }
0x72: {  	_ =	shalt  }
0x73: {  	_ =	shalt  }
0x74: {  	_ =	shalt  }
0x75: {  	_ =	shalt  }
0x76: {  	_ =	shalt  }
0x77: {  	_ =	shalt  }
0x78: {  	_ =	shalt  }
0x79: {  	_ =	shalt  }
0x7a: {  	_ =	shalt  }
0x7b: {  	_ =	shalt  }
0x7c: {  	_ =	shalt  }
0x7d: {  	_ =	shalt  }
0x7e: {  	_ =	shalt  }
0x7f: {  	_ =	shalt  }
0x80: {  	_ =	shalt  }
0x81: {  	_ =	shalt  }
0x82: {  	_ =	shalt  }
0x83: {  	_ =	shalt  }
0x84: {  	_ =	shalt  }
0x85: {  	_ =	shalt  }
0x86: {  	_ =	shalt  }
0x87: {  	_ =	shalt  }
.Lfunc_end0:
.L_simem_size_0:
called_computation_lowered:
.L_overlay_start_0:
0x88: {  	s2 =	sld [smem:$0x3FD9]  }
0x89: {  	s3 =	sld [smem:$0x3FFE];
	_ =	sdelay $0x1  }
0x8a: {  	s1 =	srdreg.scid  }
0x8b: {  	s0 =	sand.u32 $0x1, s1  }
0x8c: {  	s17 =	sshll.u32 s0, $0xA;
	s2 =	sadd.s32 s3, s2  }
0x8d: {  	s2 =	sadd.s32 s2, s17  }
0x8e: {  	[smem:$0x3FC3] =	sst s2  }
0x8f: {  	_ = 	snop  }
0x90: {  	s2 =	sld [smem:$0x3FC8]  }
0x91: {  	s18 =	sld [smem:$0x3FC7]  }
0x92: {  	s4 =	sld [smem:$0x3FC6]  }
0x93: {  	s5 =	sld [smem:$0x3FD0];
	(tm) =	ssettm $0x1  }
0x94: {  	s6 =	sld [smem:$0x3FFB];
	_ =	sdelay $0x3  }
0x95: {  	_ =	strace s6  }
0x96: {  	s6 =	sld [smem:$0x3FFC];
	_ =	sdelay $0x3  }
0x97: {  	_ =	strace s6  }
0x98: {  	s6 =	sld [smem:$0x3FFD];
	_ =	sdelay $0x3  }
0x99: {  	_ =	strace s6  }
0x9a: {  	_ =	strace $0x8FFFFFFF  }
0x9b: {  	s19 =	sld [smem:$0x3FDB];
	_ =	sdelay $0x1  }
0x9c: {  	s7 =	simm.s32 $_scs_section_size  }
0x9d: {  	s8 =	simm.s32 $_size__tile_overlayer_lowered;
	s9 =	simm.s32 $_tile_overlayer_lowered  }
0x9e: {  	s22 =	simm.s32 $0x1BFF;
	s21 =	sshll.u32 s9, $0x1;
	s6 =	sadd.s32 s7, s19  }
0x9f: {  	s10 =	simm.s32 $0x0;
	s20 =	sshll.u32 s8, $0x1;
	s8 =	sadd.s32 s21, s6  }
0xa0: {  	[timem:s10], [sflag:s22] =	dma.local [hbm:s8], s20  }
0xa1: {  	_ =	swait.ge [sflag:s22], s20  }
0xa2: {  	s7 =	ssub.s32 $0x0, s20;
	[sflag:s22] =	ssyncset.done $0x0  }
0xa3: {  	[sflag:s22] =	ssyncadd.s32 s7;
	_ =	sdelay $0x1  }
0xa4: {  	s23 =	simm.s32 $0x1B8B  }
0xa5: {  	_ =	swait.ge [sflag:s23], $0x1  }
0xa6: {  	[sflag:s23] =	ssyncset.done $0x0  }
0xa7: {  	s25 =	simm.s32 $0x1B8E;
	s24 =	sld [smem:$0x3FFE];
	[sflag:s23] =	ssyncadd.s32 $0xFFFFFFFF  }
0xa8: {  	s26 =	simm.s32 $execute0_lowered;
	[smem:$0x3FD2] =	sst s25  }
0xa9: {  	s8 =	sshll.u32 s26, $0x1;
	_ =	strace $0x80000046;
	[dreg:$0x1] =	wrdreg $0xFFFFFFFF  }
0xaa: {  	s28 =	simm.s32 $_size_execute0_lowered;
	s6 =	sadd.s32 s6, s8;
	[dreg:$0x0] =	wrdreg $0x0  }
0xab: {  	s8 =	sshll.u32 s28, $0x1;
	[dreg:$0x2] =	wrdreg s6  }
0xac: {  	[dreg:$0x3] =	wrdreg s8  }
0xad: {  	[dreg:$0x4] =	wrdreg $0xC0  }
0xae: {  	_ =	task [dreg:s10], $0x5FFFF  }
0xaf: {  	[dreg:$0x1] =	wrdreg $0xFFFFFFFF  }
0xb0: {  	[dreg:$0x0] =	wrdreg $0x60  }
0xb1: {  	[dreg:$0x2] =	wrdreg s2  }
0xb2: {  	[dreg:$0x3] =	wrdreg s18  }
0xb3: {  	[dreg:$0x4] =	wrdreg s4  }
0xb4: {  	[dreg:$0x5] =	wrdreg s24  }
0xb5: {  	[dreg:$0x6] =	wrdreg s5  }
0xb6: {  	[dreg:$0x7] =	wrdreg $0x0  }
0xb7: {  	[dreg:$0x8] =	wrdreg $0x9  }
0xb8: {  	_ =	task.clear_ibuf [dreg:s10], $0x9FFFF;
	_ =	strace $0x90000046  }
0xb9: {  	s29 =	simm.s32 $0x9;
	_ =	strace $0x80000048  }
0xba: {  	_ =	swait.ge [sflag:s29], $0x1  }
0xbb: {  	[sflag:s29] =	ssyncadd.s32 $0xFFFFFFFF  }
0xbc: {  	_ =	strace $0x90000048  }
0xbd: {  	_ =	sfence  }
0xbe: {  	s30 =	sld [smem:$0x0];
	_ =	sdelay $0x2  }
0xbf: {  	s31 =	sshll.u32 s1, $0xD;
	s1 =	sshrl.u32 s1, $0x2  }
0xc0: {  	s3 =	sand.u32 $0x4000, s31;
	s1 =	sadd.s32 s1, s30  }
0xc1: {  	s0 =	sor.u32 s3, s0;
	s1 =	sshll.u32 s1, $0x11  }
0xc2: {  	s0 =	sor.u32 s1, s0  }
0xc3: {  	s0 =	sadd.s32 $0x8F2B, s0  }
0xc4: {  	[sflag:s0] =	ssyncadd.remote.s32 $0x1  }
0xc5: {  	_ =	sfence.sel $0xFFFF  }
0xc6: {  	[dreg:$0x0] =	wrdreg $0xFFFFFFFF;
	(pc) =	sbr.abs _section_cstart, $3  }
0xc7: {  	[dreg:$0x1] =	wrdreg $0xFFFFFFFF  }
0xc8: {  	_ =	task.clear_ibuf [dreg:s10], $0x2FFFF;
	_ =	strace $0x9FFFFFFF  }
0xc9: {  	(tm) =	ssettm $0x7FFFFFFF  }
tec
execute0_lowered:
.L_overlay_start_1:
0x0: {  	(tag) =	ssettag $0x1  }
0x1: {  	s0 =	rddreg [dreg:$0x0]  }
0x2: {  	s1 =	rddreg [dreg:$0x3]  }
0x3: {  	s2 =	rddreg [dreg:$0x4]  }
0x4: {  	s4 =	rddreg [dreg:$0x5];
	s5 =	simm.s32 $0x0  }
0x5: {  	s13 =	stileid.u32;
	s3 =	srdreg.scid;
	s19 =	simm.s32 $0x1A  }
0x6: {  	s15 =	simm.s32 $0xB100;
	s29 =	simm.s32 $0xE100;
	s31 =	simm.s32 $0xF100  }
0x7: {  	s14 =	simm.s32 $0x12100;
	s16 =	simm.s32 $0x13100;
	s17 =	simm.s32 $0x14100  }
0x8: {  	s28 =	simm.s32 $0x18100;
	s30 =	simm.s32 $0x19100;
	[smem:$0x7FF] =	sst s5  }
0x9: {  	s6 =	sshll.u32 s13, $0xA;
	s3 =	sand.u32 $0x1, s3;
	s8 =	sshll.u32 s13, $0x11  }
0xa: {  	s11 =	sshll.u32 s13, $0xC;
	s25 =	sshll.u32 s13, $0xD;
	p0 =	seq.s32 s13, $0xF  }
0xb: {  	s13 =	simm.s32 $0xA100;
	_ =	strace $0x80000047;
	s7 =	sadd.s32 s6, s1  }
0xc: {  	s9 =	ssub.s32 $0x2, s3;
	s12 =	sshll.u32 s3, $0xB;
	s8 =	sadd.s32 s8, s1  }
0xd: {  	s21 =	sadd.s32 s0, s6;
	s22 =	sshll.u32 s3, $0x10;
	s0 =	sadd.s32 $0x3C00, s0  }
0xe: {  	s1 =	sadd.s32 $0x4000, s1;
	s3 =	simm.s32 $0x10100;
	[dreg:$0x9] =	wrdreg s21  }
0xf: {  	s10 =	sshrl.u32 s9, $0x1;
	s20 =	sor.u32 s12, s11;
	[dreg:$0xb] =	wrdreg s0  }
0x10: {  	s23 =	sadd.s32 $0x400, s7;
	s24 =	sadd.s32 s22, s8;
	[dreg:$0xc] =	wrdreg s1  }
0x11: {  	s1 =	sadd.s32 s25, s4;
	s7 =	simm.s32 $0x2000;
	s11 =	simm.s32 $0x6  }
0x12: {  	s21 =	simm.s32 $0x15100;
	s25 =	simm.s32 $0x17100;
	s8 =	simm.s32 $0x0  }
0x13: {  	s9 =	ssub.s32 s9, s10;
	s2 =	sadd.s32 s2, s20;
	[dreg:$0xa] =	wrdreg s23  }
0x14: {  	s0 =	sadd.s32 $0x4400, s24;
	[dreg:$0xd] =	wrdreg s1;
	s20 =	simm.s32 $0xC100  }
0x15: {  	s23 =	simm.s32 $0x16100;
	s1 =	simm.s32 $0x3;
	[dreg:$0x8] =	wrdreg s2  }
0x16: {  	s26 =	smax.u32 s9, $0x1;
	[dreg:$0x7] =	wrdreg s0;
	s2 =	simm.s32 $0x11100  }
0x17: {  	s0 =	simm.s32 $0x2;
	[dreg:$0xe] =	wrdreg s26;
	s26 =	simm.s32 $0xD100  }
.LBB2_1:
0x18: {  	[dreg:$0xf] =	wrdreg s8  }
0x19: {  	s6 =	rddreg [dreg:$0x8]  }
0x1a: {  	[tilespmem:s7], [sflag:$0x1] =	stream.linear.gather [hbm4b:s6+s5], $0x4000, $0x38;
	[tilespmem:$0x1A100] =	vst v63  }
0x1b: {  	s8 =	simm.s32 @p0 $0x0;
	s9 =	simm.s32 @p0 $0x6000;
	s6 =	rddreg [dreg:$0xb]  }
0x1c: {  	[tilespmem:s9], [sflag:$0x6] =	stream.linear.gather @p0 [hbm4b:s6+s8], $0x1400, $0x38;
	[tilespmem:$0x1A100] =	vst v63  }
0x1d: {  	s9 =	simm.s32 @p0 $0x6  }
0x1e: {  	_ =	swait.ge @p0 [sflag:s9], $0x1400  }
0x1f: {  	[sflag:s9] =	ssyncset.done @p0 $0x0  }
0x20: {  	s10 =	simm.s32 @p0 $0x8000;
	s6 =	rddreg [dreg:$0xc];
	[sflag:s9] =	ssyncadd.s32 @p0 $0xFFFFEC00  }
0x21: {  	[tilespmem:s10], [sflag:$0x6] =	stream.linear.gather @p0 [hbm4b:s6+s8], $0x1400, $0x38;
	[tilespmem:$0x1A100] =	vst v63  }
0x22: {  	_ =	swait.ge @p0 [sflag:s9], $0x1400  }
0x23: {  	s8 =	simm.s32 @!p0 $0x0;
	[sflag:s9] =	ssyncset.done @p0 $0x0  }
0x24: {  	s6 =	rddreg [dreg:$0x9];
	[sflag:s9] =	ssyncadd.s32 @p0 $0xFFFFEC00;
	s9 =	simm.s32 @!p0 $0x6000  }
0x25: {  	[tilespmem:s9], [sflag:$0x6] =	stream.linear.gather @!p0 [hbm4b:s6+s8], $0x2000, $0x38;
	[tilespmem:$0x1A100] =	vst v63  }
0x26: {  	s9 =	simm.s32 @!p0 $0x6  }
0x27: {  	_ =	swait.ge @!p0 [sflag:s9], $0x2000  }
0x28: {  	[sflag:s9] =	ssyncset.done @!p0 $0x0  }
0x29: {  	s10 =	simm.s32 @!p0 $0x8000;
	s6 =	rddreg [dreg:$0xa];
	[sflag:s9] =	ssyncadd.s32 @!p0 $0xFFFFE000  }
0x2a: {  	[tilespmem:s10], [sflag:$0x6] =	stream.linear.gather @!p0 [hbm4b:s6+s8], $0x2000, $0x38;
	[tilespmem:$0x1A100] =	vst v63  }
0x2b: {  	_ =	swait.ge @!p0 [sflag:s9], $0x2000  }
0x2c: {  	[sflag:s9] =	ssyncset.done @!p0 $0x0  }
0x2d: {  	[sflag:s9] =	ssyncadd.s32 @!p0 $0xFFFFE000  }
0x2e: {  	s18 =	simm.s32 $0xA000;
	s12 =	rddreg [dreg:$0x1]  }
0x2f: {  	[tilespmem:s18], [sflag:$0x6] =	stream.linear.gather [hbm4b:s12+s5], $0x80, $0x38;
	[tilespmem:$0x1A100] =	vst v63  }
0x30: {  	_ =	swait.ge [sflag:s11], $0x80  }
0x31: {  	[sflag:s11] =	ssyncset.done $0x0  }
0x32: {  	[sflag:s11] =	ssyncadd.s32 $0xFFFFFF80  }
0x33: {  	s24 =	simm.s32 $0xA080;
	s22 =	rddreg [dreg:$0x2]  }
0x34: {  	[tilespmem:s24], [sflag:$0x6] =	stream.linear.gather [hbm4b:s22+s5], $0x80, $0x38;
	[tilespmem:$0x1A100] =	vst v63  }
0x35: {  	_ =	swait.ge [sflag:s11], $0x80  }
0x36: {  	[sflag:s11] =	ssyncset.done $0x0  }
0x37: {  	s8 =	simm.s32 $0x0;
	[sflag:s11] =	ssyncadd.s32 $0xFFFFFF80  }
0x38: {  	v0 =	vld.msk [tilespmem:s8+$0x8000], $0x1  }
0x39: {  	v1 =	vld [tilespmem:$0xA000]  }
0x3a: {  	v2 =	vld [tilespmem:$0xA080];
	_ =	sdelay $0x4  }
0x3b: {  	v0 =	vbroadcast v0, $0x0;
	v1 =	vsub.f32 v1, v2  }
0x3c: {  	v3 =	vld [tilespmem:s8+$0x6000]  }
0x3d: {  	v1 =	vmul.f32 v1, v0;
	_ =	sdelay $0x1  }
0x3e: {  	v1 =	vadd.f32 v1, v2;
	_ =	sdelay $0x1  }
0x3f: {  	v1 =	vadd.f32 v1, v3;
	_ =	sdelay $0x1  }
0x40: {  	[tilespmem:s8+$0x6000] =	vst v1  }
0x41: {  	v1 =	vld [tilespmem:$0xA010]  }
0x42: {  	v2 =	vld [tilespmem:$0xA090];
	_ =	sdelay $0x4  }
0x43: {  	v1 =	vsub.f32 v1, v2  }
0x44: {  	v3 =	vld [tilespmem:s8+$0x6010]  }
0x45: {  	v1 =	vmul.f32 v1, v0;
	_ =	sdelay $0x1  }
0x46: {  	v1 =	vadd.f32 v1, v2;
	_ =	sdelay $0x1  }
0x47: {  	v1 =	vadd.f32 v1, v3;
	_ =	sdelay $0x1  }
0x48: {  	[tilespmem:s8+$0x6010] =	vst v1  }
0x49: {  	v1 =	vld [tilespmem:$0xA020]  }
0x4a: {  	v2 =	vld [tilespmem:$0xA0A0];
	_ =	sdelay $0x4  }
0x4b: {  	v1 =	vsub.f32 v1, v2  }
0x4c: {  	v3 =	vld [tilespmem:s8+$0x6020]  }
0x4d: {  	v1 =	vmul.f32 v1, v0;
	_ =	sdelay $0x1  }
0x4e: {  	v1 =	vadd.f32 v1, v2;
	_ =	sdelay $0x1  }
0x4f: {  	v1 =	vadd.f32 v1, v3;
	_ =	sdelay $0x1  }
0x50: {  	[tilespmem:s8+$0x6020] =	vst v1  }
0x51: {  	v1 =	vld [tilespmem:$0xA030]  }
0x52: {  	v2 =	vld [tilespmem:$0xA0B0];
	_ =	sdelay $0x4  }
0x53: {  	v1 =	vsub.f32 v1, v2  }
0x54: {  	v3 =	vld [tilespmem:s8+$0x6030]  }
0x55: {  	v1 =	vmul.f32 v1, v0;
	_ =	sdelay $0x1  }
0x56: {  	v1 =	vadd.f32 v1, v2;
	_ =	sdelay $0x1  }
0x57: {  	v1 =	vadd.f32 v1, v3;
	_ =	sdelay $0x1  }
0x58: {  	[tilespmem:s8+$0x6030] =	vst v1  }
0x59: {  	v1 =	vld [tilespmem:$0xA040]  }
0x5a: {  	v2 =	vld [tilespmem:$0xA0C0];
	_ =	sdelay $0x4  }
0x5b: {  	v1 =	vsub.f32 v1, v2  }
0x5c: {  	v3 =	vld [tilespmem:s8+$0x6040]  }
0x5d: {  	v1 =	vmul.f32 v1, v0;
	_ =	sdelay $0x1  }
0x5e: {  	v1 =	vadd.f32 v1, v2;
	_ =	sdelay $0x1  }
0x5f: {  	v1 =	vadd.f32 v1, v3;
	_ =	sdelay $0x1  }
0x60: {  	[tilespmem:s8+$0x6040] =	vst v1  }
0x61: {  	v1 =	vld [tilespmem:$0xA050]  }
0x62: {  	v2 =	vld [tilespmem:$0xA0D0];
	_ =	sdelay $0x4  }
0x63: {  	v1 =	vsub.f32 v1, v2  }
0x64: {  	v3 =	vld [tilespmem:s8+$0x6050]  }
0x65: {  	v1 =	vmul.f32 v1, v0;
	_ =	sdelay $0x1  }
0x66: {  	v1 =	vadd.f32 v1, v2;
	_ =	sdelay $0x1  }
0x67: {  	v1 =	vadd.f32 v1, v3;
	_ =	sdelay $0x1  }
0x68: {  	[tilespmem:s8+$0x6050] =	vst v1  }
0x69: {  	v1 =	vld [tilespmem:$0xA060]  }
0x6a: {  	v2 =	vld [tilespmem:$0xA0E0];
	_ =	sdelay $0x4  }
0x6b: {  	v1 =	vsub.f32 v1, v2  }
0x6c: {  	v3 =	vld [tilespmem:s8+$0x6060]  }
0x6d: {  	v1 =	vmul.f32 v1, v0;
	_ =	sdelay $0x1  }
0x6e: {  	v1 =	vadd.f32 v1, v2;
	_ =	sdelay $0x1  }
0x6f: {  	v1 =	vadd.f32 v1, v3;
	_ =	sdelay $0x1  }
0x70: {  	[tilespmem:s8+$0x6060] =	vst v1  }
0x71: {  	v2 =	vld [tilespmem:$0xA070]  }
0x72: {  	s9 =	simm.s32 $0x200;
	v1 =	vld [tilespmem:$0xA0F0]  }
.LBB2_2:
0x73: {  	_ =	sdelay $0x2  }
0x74: {  	p1 =	sne.s32 s9, $0x7E00;
	s10 =	smov.u32 s9;
	s9 =	sadd.s32 $0x200, s9  }
0x75: {  	v3 =	vld [tilespmem:s8+$0x6070];
	v2 =	vsub.f32 v2, v1;
	_ =	sdelay $0x1  }
0x76: {  	v0 =	vmul.f32 v2, v0;
	_ =	sdelay $0x1  }
0x77: {  	v0 =	vadd.f32 v0, v1;
	_ =	sdelay $0x1  }
0x78: {  	v0 =	vadd.f32 v0, v3  }
0x79: {  	s10 =	sshra.s32 s10, $0x2  }
0x7a: {  	v1 =	vld.msk [tilespmem:s10+$0x8000], $0x1;
	[tilespmem:s8+$0x6070] =	vst v0;
	s8 =	smov.u32 s10  }
0x7b: {  	v2 =	vld [tilespmem:$0xA000]  }
0x7c: {  	v3 =	vld [tilespmem:$0xA080];
	_ =	sdelay $0x3  }
0x7d: {  	v0 =	vbroadcast v1, $0x0  }
0x7e: {  	v1 =	vsub.f32 v2, v3  }
0x7f: {  	v2 =	vld [tilespmem:s8+$0x6000]  }
0x80: {  	v1 =	vmul.f32 v1, v0;
	_ =	sdelay $0x1  }
0x81: {  	v1 =	vadd.f32 v1, v3;
	_ =	sdelay $0x1  }
0x82: {  	v1 =	vadd.f32 v1, v2;
	_ =	sdelay $0x1  }
0x83: {  	[tilespmem:s8+$0x6000] =	vst v1  }
0x84: {  	v1 =	vld [tilespmem:$0xA010]  }
0x85: {  	v2 =	vld [tilespmem:$0xA090];
	_ =	sdelay $0x4  }
0x86: {  	v1 =	vsub.f32 v1, v2  }
0x87: {  	v3 =	vld [tilespmem:s8+$0x6010]  }
0x88: {  	v1 =	vmul.f32 v1, v0;
	_ =	sdelay $0x1  }
0x89: {  	v1 =	vadd.f32 v1, v2;
	_ =	sdelay $0x1  }
0x8a: {  	v1 =	vadd.f32 v1, v3;
	_ =	sdelay $0x1  }
0x8b: {  	[tilespmem:s8+$0x6010] =	vst v1  }
0x8c: {  	v1 =	vld [tilespmem:$0xA020]  }
0x8d: {  	v2 =	vld [tilespmem:$0xA0A0];
	_ =	sdelay $0x4  }
0x8e: {  	v1 =	vsub.f32 v1, v2  }
0x8f: {  	v3 =	vld [tilespmem:s8+$0x6020]  }
0x90: {  	v1 =	vmul.f32 v1, v0;
	_ =	sdelay $0x1  }
0x91: {  	v1 =	vadd.f32 v1, v2;
	_ =	sdelay $0x1  }
0x92: {  	v1 =	vadd.f32 v1, v3;
	_ =	sdelay $0x1  }
0x93: {  	[tilespmem:s8+$0x6020] =	vst v1  }
0x94: {  	v1 =	vld [tilespmem:$0xA030]  }
0x95: {  	v2 =	vld [tilespmem:$0xA0B0];
	_ =	sdelay $0x4  }
0x96: {  	v1 =	vsub.f32 v1, v2  }
0x97: {  	v3 =	vld [tilespmem:s8+$0x6030]  }
0x98: {  	v1 =	vmul.f32 v1, v0;
	_ =	sdelay $0x1  }
0x99: {  	v1 =	vadd.f32 v1, v2;
	_ =	sdelay $0x1  }
0x9a: {  	v1 =	vadd.f32 v1, v3;
	_ =	sdelay $0x1  }
0x9b: {  	[tilespmem:s8+$0x6030] =	vst v1  }
0x9c: {  	v1 =	vld [tilespmem:$0xA040]  }
0x9d: {  	v2 =	vld [tilespmem:$0xA0C0];
	_ =	sdelay $0x4  }
0x9e: {  	v1 =	vsub.f32 v1, v2  }
0x9f: {  	v3 =	vld [tilespmem:s8+$0x6040]  }
0xa0: {  	v1 =	vmul.f32 v1, v0;
	_ =	sdelay $0x1  }
0xa1: {  	v1 =	vadd.f32 v1, v2;
	_ =	sdelay $0x1  }
0xa2: {  	v1 =	vadd.f32 v1, v3;
	_ =	sdelay $0x1  }
0xa3: {  	[tilespmem:s8+$0x6040] =	vst v1  }
0xa4: {  	v1 =	vld [tilespmem:$0xA050]  }
0xa5: {  	v2 =	vld [tilespmem:$0xA0D0];
	_ =	sdelay $0x4  }
0xa6: {  	v1 =	vsub.f32 v1, v2  }
0xa7: {  	v3 =	vld [tilespmem:s8+$0x6050]  }
0xa8: {  	v1 =	vmul.f32 v1, v0;
	_ =	sdelay $0x1  }
0xa9: {  	v1 =	vadd.f32 v1, v2;
	_ =	sdelay $0x1  }
0xaa: {  	v1 =	vadd.f32 v1, v3;
	_ =	sdelay $0x1  }
0xab: {  	[tilespmem:s8+$0x6050] =	vst v1  }
0xac: {  	v1 =	vld [tilespmem:$0xA060]  }
0xad: {  	v2 =	vld [tilespmem:$0xA0E0];
	_ =	sdelay $0x4  }
0xae: {  	v1 =	vsub.f32 v1, v2  }
0xaf: {  	v3 =	vld [tilespmem:s8+$0x6060]  }
0xb0: {  	v1 =	vmul.f32 v1, v0;
	_ =	sdelay $0x1  }
0xb1: {  	v1 =	vadd.f32 v1, v2;
	_ =	sdelay $0x1  }
.Ltmp0:
0xb2: {  	v1 =	vadd.f32 v1, v3;
	(pc) =	sbr.rel @p1 .LBB2_2-.Ltmp0, $4  }
0xb3: {  	_ = 	snop  }
0xb4: {  	[tilespmem:s8+$0x6060] =	vst v1  }
0xb5: {  	v2 =	vld [tilespmem:$0xA070]  }
0xb6: {  	v1 =	vld [tilespmem:$0xA0F0]  }
0xb7: {  	_ =	sdelay $0x3  }
0xb8: {  	v2 =	vsub.f32 v2, v1  }
0xb9: {  	v3 =	vld [tilespmem:s8+$0x6070]  }
0xba: {  	v0 =	vmul.f32 v2, v0;
	_ =	sdelay $0x1  }
0xbb: {  	v0 =	vadd.f32 v0, v1;
	_ =	sdelay $0x1  }
0xbc: {  	v0 =	vadd.f32 v0, v3;
	_ =	sdelay $0x1  }
0xbd: {  	s6 =	rddreg [dreg:$0xd];
	s10 =	simm.s32 $0x6000;
	[tilespmem:s8+$0x6070] =	vst v0  }
0xbe: {  	[spmem:s6] =	stream.linear.scatter [tilespmem:s10], [sflag:$0x6], $0x2000, $0x38;
	[tilespmem:$0x1A100] =	vst v63  }
0xbf: {  	_ =	swait.ge [sflag:s11], $0x2000  }
0xc0: {  	[sflag:s11] =	ssyncset.done $0x0  }
0xc1: {  	[sflag:s11] =	ssyncadd.s32 $0xFFFFE000  }
0xc2: {  	s12 =	simm.s32 $0x1;
	[bflag:$0x0] =	sbarrier.arrive $0xFFFF  }
0xc3: {  	_ =	swait.ge [sflag:s12], $0x4000  }
0xc4: {  	[sflag:s12] =	ssyncset.done $0x0  }
0xc5: {  	[sflag:s12] =	ssyncadd.s32 $0xFFFFC000  }
0xc6: {  	[tilespmem:s13], [sflag:$0x2] =	stream.indirect.gather [spmem:s4], $0x80, s7, s19, $0xb8;
	[tilespmem:$0x1A100] =	vst v63  }
0xc7: {  	s18 =	simm.s32 $0x2080  }
0xc8: {  	[tilespmem:s15], [sflag:$0x2] =	stream.indirect.gather [spmem:s4], $0x80, s18, s19, $0xb8;
	[tilespmem:$0x1A100] =	vst v63  }
0xc9: {  	s22 =	simm.s32 $0x2100  }
0xca: {  	[tilespmem:s20], [sflag:$0x2] =	stream.indirect.gather [spmem:s4], $0x80, s22, s19, $0xb8;
	[tilespmem:$0x1A100] =	vst v63  }
0xcb: {  	s24 =	simm.s32 $0x2180  }
0xcc: {  	[tilespmem:s26], [sflag:$0x2] =	stream.indirect.gather [spmem:s4], $0x80, s24, s19, $0xb8;
	[tilespmem:$0x1A100] =	vst v63  }
0xcd: {  	s7 =	simm.s32 $0x2200  }
0xce: {  	[tilespmem:s29], [sflag:$0x2] =	stream.indirect.gather [spmem:s4], $0x80, s7, s19, $0xb8;
	[tilespmem:$0x1A100] =	vst v63  }
0xcf: {  	p1 =	por $0x1, $0x1;
	s8 =	simm.s32 $0x2280  }
0xd0: {  	[tilespmem:s31], [sflag:$0x2] =	stream.indirect.gather [spmem:s4], $0x80, s8, s19, $0xb8;
	[tilespmem:$0x1A100] =	vst v63  }
0xd1: {  	s9 =	simm.s32 $0x2300;
	p1 =	por p1, p1  }
0xd2: {  	[tilespmem:s3], [sflag:$0x2] =	stream.indirect.gather [spmem:s4], $0x80, s9, s19, $0xb8;
	[tilespmem:$0x1A100] =	vst v63  }
0xd3: {  	s10 =	simm.s32 $0x2380;
	s8 =	simm.s32 @!p1 $0x5  }
0xd4: {  	[tilespmem:s2], [sflag:$0x2] =	stream.indirect.gather [spmem:s4], $0x80, s10, s19, $0xb8;
	[tilespmem:$0x1A100] =	vst v63  }
0xd5: {  	_ =	swait.ge @!p1 [sflag:s8], $0x6800  }
0xd6: {  	[sflag:s8] =	ssyncset.done @!p1 $0x0  }
0xd7: {  	s11 =	simm.s32 $0x2400;
	[sflag:s8] =	ssyncadd.s32 @!p1 $0xFFFF9800  }
0xd8: {  	[tilespmem:s14], [sflag:$0x3] =	stream.indirect.gather [spmem:s4], $0x80, s11, s19, $0xb8;
	[tilespmem:$0x1A100] =	vst v63  }
0xd9: {  	s12 =	simm.s32 $0x2480  }
0xda: {  	[tilespmem:s16], [sflag:$0x3] =	stream.indirect.gather [spmem:s4], $0x80, s12, s19, $0xb8;
	[tilespmem:$0x1A100] =	vst v63  }
0xdb: {  	s18 =	simm.s32 $0x2500  }
0xdc: {  	[tilespmem:s17], [sflag:$0x3] =	stream.indirect.gather [spmem:s4], $0x80, s18, s19, $0xb8;
	[tilespmem:$0x1A100] =	vst v63  }
0xdd: {  	s22 =	simm.s32 $0x2580  }
0xde: {  	[tilespmem:s21], [sflag:$0x3] =	stream.indirect.gather [spmem:s4], $0x80, s22, s19, $0xb8;
	[tilespmem:$0x1A100] =	vst v63  }
0xdf: {  	s24 =	simm.s32 $0x2600  }
0xe0: {  	[tilespmem:s23], [sflag:$0x3] =	stream.indirect.gather [spmem:s4], $0x80, s24, s19, $0xb8;
	[tilespmem:$0x1A100] =	vst v63  }
0xe1: {  	s6 =	simm.s32 $0x2680  }
0xe2: {  	[tilespmem:s25], [sflag:$0x3] =	stream.indirect.gather [spmem:s4], $0x80, s6, s19, $0xb8;
	[tilespmem:$0x1A100] =	vst v63  }
0xe3: {  	s7 =	simm.s32 $0x2700  }
0xe4: {  	[tilespmem:s28], [sflag:$0x3] =	stream.indirect.gather [spmem:s4], $0x80, s7, s19, $0xb8;
	[tilespmem:$0x1A100] =	vst v63  }
0xe5: {  	s9 =	simm.s32 $0x2780  }
0xe6: {  	[tilespmem:s30], [sflag:$0x3] =	stream.indirect.gather [spmem:s4], $0x80, s9, s19, $0xb8;
	[tilespmem:$0x1A100] =	vst v63  }
0xe7: {  	_ =	swait.ge [sflag:s0], $0xD00  }
0xe8: {  	[sflag:s0] =	ssyncset.done $0x0  }
0xe9: {  	[sflag:s0] =	ssyncadd.s32 $0xFFFFF300  }
0xea: {  	_ =	swait.ge [sflag:s0], $0xD00  }
0xeb: {  	[sflag:s0] =	ssyncset.done $0x0  }
0xec: {  	[sflag:s0] =	ssyncadd.s32 $0xFFFFF300  }
0xed: {  	_ =	swait.ge [sflag:s0], $0xD00  }
0xee: {  	[sflag:s0] =	ssyncset.done $0x0  }
0xef: {  	[sflag:s0] =	ssyncadd.s32 $0xFFFFF300  }
0xf0: {  	_ =	swait.ge [sflag:s0], $0xD00  }
0xf1: {  	[sflag:s0] =	ssyncset.done $0x0  }
0xf2: {  	[sflag:s0] =	ssyncadd.s32 $0xFFFFF300  }
0xf3: {  	_ =	swait.ge [sflag:s0], $0xD00  }
0xf4: {  	[sflag:s0] =	ssyncset.done $0x0  }
0xf5: {  	[sflag:s0] =	ssyncadd.s32 $0xFFFFF300  }
0xf6: {  	_ =	swait.ge [sflag:s0], $0xD00  }
0xf7: {  	[sflag:s0] =	ssyncset.done $0x0  }
0xf8: {  	[sflag:s0] =	ssyncadd.s32 $0xFFFFF300  }
0xf9: {  	_ =	swait.ge [sflag:s0], $0xD00  }
0xfa: {  	[sflag:s0] =	ssyncset.done $0x0  }
0xfb: {  	[sflag:s0] =	ssyncadd.s32 $0xFFFFF300  }
0xfc: {  	_ =	swait.ge [sflag:s0], $0xD00  }
0xfd: {  	s10 =	rddreg [dreg:$0x7];
	[sflag:s0] =	ssyncset.done $0x0  }
0xfe: {  	[sflag:s0] =	ssyncadd.s32 $0xFFFFF300;
	s10 =	sadd.s32 $0x0, s10  }
0xff: {  	[hbm4b:s10+s5] =	stream.linear.scatter [tilespmem:s13], [sflag:$0x4], $0xD00, $0x38;
	[tilespmem:$0x1A100] =	vst v63  }
0x100: {  	s8 =	sadd.s32 $0x200, s10  }
0x101: {  	[hbm4b:s8+s5] =	stream.linear.scatter [tilespmem:s15], [sflag:$0x4], $0xD00, $0x38;
	[tilespmem:$0x1A100] =	vst v63  }
0x102: {  	s11 =	sadd.s32 $0x400, s10  }
0x103: {  	[hbm4b:s11+s5] =	stream.linear.scatter [tilespmem:s20], [sflag:$0x4], $0xD00, $0x38;
	[tilespmem:$0x1A100] =	vst v63  }
0x104: {  	s12 =	sadd.s32 $0x600, s10  }
0x105: {  	[hbm4b:s12+s5] =	stream.linear.scatter [tilespmem:s26], [sflag:$0x4], $0xD00, $0x38;
	[tilespmem:$0x1A100] =	vst v63  }
0x106: {  	s18 =	sadd.s32 $0x800, s10  }
0x107: {  	[hbm4b:s18+s5] =	stream.linear.scatter [tilespmem:s29], [sflag:$0x4], $0xD00, $0x38;
	[tilespmem:$0x1A100] =	vst v63  }
0x108: {  	s22 =	sadd.s32 $0xA00, s10  }
0x109: {  	[hbm4b:s22+s5] =	stream.linear.scatter [tilespmem:s31], [sflag:$0x4], $0xD00, $0x38;
	[tilespmem:$0x1A100] =	vst v63  }
0x10a: {  	p1 =	por $0x0, $0x0;
	s24 =	sadd.s32 $0xC00, s10  }
0x10b: {  	[hbm4b:s24+s5] =	stream.linear.scatter [tilespmem:s3], [sflag:$0x4], $0xD00, $0x38;
	[tilespmem:$0x1A100] =	vst v63  }
0x10c: {  	s6 =	sadd.s32 $0xE00, s10;
	s8 =	simm.s32 @!p1 $0x4  }
0x10d: {  	[hbm4b:s6+s5] =	stream.linear.scatter [tilespmem:s2], [sflag:$0x4], $0xD00, $0x38;
	[tilespmem:$0x1A100] =	vst v63  }
0x10e: {  	_ =	swait.ge @!p1 [sflag:s8], $0x6800  }
0x10f: {  	s9 =	simm.s32 @!p1 $0x2800;
	[sflag:s8] =	ssyncset.done @!p1 $0x0  }
0x110: {  	s11 =	simm.s32 @!p1 $0x1A;
	[sflag:s8] =	ssyncadd.s32 @!p1 $0xFFFF9800;
	s8 =	simm.s32 @!p1 $0xA100  }
0x111: {  	[tilespmem:s8], [sflag:$0x2] =	stream.indirect.gather @!p1 [spmem:s4], $0x80, s9, s11, $0xb8;
	[tilespmem:$0x1A100] =	vst v63  }
0x112: {  	s8 =	simm.s32 @!p1 $0x2880;
	s9 =	simm.s32 @!p1 $0xB100  }
0x113: {  	[tilespmem:s9], [sflag:$0x2] =	stream.indirect.gather @!p1 [spmem:s4], $0x80, s8, s11, $0xb8;
	[tilespmem:$0x1A100] =	vst v63  }
0x114: {  	s8 =	simm.s32 @!p1 $0x2900;
	s9 =	simm.s32 @!p1 $0xC100  }
0x115: {  	[tilespmem:s9], [sflag:$0x2] =	stream.indirect.gather @!p1 [spmem:s4], $0x80, s8, s11, $0xb8;
	[tilespmem:$0x1A100] =	vst v63  }
0x116: {  	s8 =	simm.s32 @!p1 $0x2980;
	s9 =	simm.s32 @!p1 $0xD100  }
0x117: {  	[tilespmem:s9], [sflag:$0x2] =	stream.indirect.gather @!p1 [spmem:s4], $0x80, s8, s11, $0xb8;
	[tilespmem:$0x1A100] =	vst v63  }
0x118: {  	s8 =	simm.s32 @!p1 $0x2A00;
	s9 =	simm.s32 @!p1 $0xE100  }
0x119: {  	[tilespmem:s9], [sflag:$0x2] =	stream.indirect.gather @!p1 [spmem:s4], $0x80, s8, s11, $0xb8;
	[tilespmem:$0x1A100] =	vst v63  }
0x11a: {  	s8 =	simm.s32 @!p1 $0x2A80;
	s9 =	simm.s32 @!p1 $0xF100  }
0x11b: {  	[tilespmem:s9], [sflag:$0x2] =	stream.indirect.gather @!p1 [spmem:s4], $0x80, s8, s11, $0xb8;
	[tilespmem:$0x1A100] =	vst v63  }
0x11c: {  	s8 =	simm.s32 @!p1 $0x2B00;
	s9 =	simm.s32 @!p1 $0x10100  }
0x11d: {  	[tilespmem:s9], [sflag:$0x2] =	stream.indirect.gather @!p1 [spmem:s4], $0x80, s8, s11, $0xb8;
	[tilespmem:$0x1A100] =	vst v63  }
0x11e: {  	s8 =	simm.s32 @!p1 $0x2B80;
	s9 =	simm.s32 @!p1 $0x11100  }
0x11f: {  	[tilespmem:s9], [sflag:$0x2] =	stream.indirect.gather @!p1 [spmem:s4], $0x80, s8, s11, $0xb8;
	[tilespmem:$0x1A100] =	vst v63  }
0x120: {  	_ =	swait.ge [sflag:s1], $0xD00  }
0x121: {  	[sflag:s1] =	ssyncset.done $0x0  }
0x122: {  	[sflag:s1] =	ssyncadd.s32 $0xFFFFF300  }
0x123: {  	_ =	swait.ge [sflag:s1], $0xD00  }
0x124: {  	[sflag:s1] =	ssyncset.done $0x0  }
0x125: {  	[sflag:s1] =	ssyncadd.s32 $0xFFFFF300  }
0x126: {  	_ =	swait.ge [sflag:s1], $0xD00  }
0x127: {  	[sflag:s1] =	ssyncset.done $0x0  }
0x128: {  	[sflag:s1] =	ssyncadd.s32 $0xFFFFF300  }
0x129: {  	_ =	swait.ge [sflag:s1], $0xD00  }
0x12a: {  	[sflag:s1] =	ssyncset.done $0x0  }
0x12b: {  	[sflag:s1] =	ssyncadd.s32 $0xFFFFF300  }
0x12c: {  	_ =	swait.ge [sflag:s1], $0xD00  }
0x12d: {  	[sflag:s1] =	ssyncset.done $0x0  }
0x12e: {  	[sflag:s1] =	ssyncadd.s32 $0xFFFFF300  }
0x12f: {  	_ =	swait.ge [sflag:s1], $0xD00  }
0x130: {  	[sflag:s1] =	ssyncset.done $0x0  }
0x131: {  	[sflag:s1] =	ssyncadd.s32 $0xFFFFF300  }
0x132: {  	_ =	swait.ge [sflag:s1], $0xD00  }
0x133: {  	[sflag:s1] =	ssyncset.done $0x0  }
0x134: {  	[sflag:s1] =	ssyncadd.s32 $0xFFFFF300  }
0x135: {  	_ =	swait.ge [sflag:s1], $0xD00  }
0x136: {  	[sflag:s1] =	ssyncset.done $0x0  }
0x137: {  	s7 =	sadd.s32 $0x1000, s10;
	[sflag:s1] =	ssyncadd.s32 $0xFFFFF300  }
0x138: {  	[hbm4b:s7+s5] =	stream.linear.scatter [tilespmem:s14], [sflag:$0x5], $0xD00, $0x38;
	[tilespmem:$0x1A100] =	vst v63  }
0x139: {  	s9 =	sadd.s32 $0x1200, s10  }
0x13a: {  	[hbm4b:s9+s5] =	stream.linear.scatter [tilespmem:s16], [sflag:$0x5], $0xD00, $0x38;
	[tilespmem:$0x1A100] =	vst v63  }
0x13b: {  	s11 =	sadd.s32 $0x1400, s10  }
0x13c: {  	[hbm4b:s11+s5] =	stream.linear.scatter [tilespmem:s17], [sflag:$0x5], $0xD00, $0x38;
	[tilespmem:$0x1A100] =	vst v63  }
0x13d: {  	s12 =	sadd.s32 $0x1600, s10  }
0x13e: {  	[hbm4b:s12+s5] =	stream.linear.scatter [tilespmem:s21], [sflag:$0x5], $0xD00, $0x38;
	[tilespmem:$0x1A100] =	vst v63  }
0x13f: {  	p6 =	por $0x0, $0x0;
	s18 =	sadd.s32 $0x1800, s10  }
0x140: {  	[hbm4b:s18+s5] =	stream.linear.scatter [tilespmem:s23], [sflag:$0x5], $0xD00, $0x38;
	[tilespmem:$0x1A100] =	vst v63  }
0x141: {  	s22 =	sadd.s32 $0x1A00, s10;
	s24 =	sadd.s32 $0x1C00, s10;
	s8 =	simm.s32 $0x2000  }
0x142: {  	[hbm4b:s22+s5] =	stream.linear.scatter [tilespmem:s25], [sflag:$0x5], $0xD00, $0x38;
	[tilespmem:$0x1A100] =	vst v63  }
0x143: {  	p1 =	por p6, p6;
	s10 =	sadd.s32 $0x1E00, s10;
	s9 =	simm.s32 $0x4000  }
0x144: {  	[hbm4b:s24+s5] =	stream.linear.scatter [tilespmem:s28], [sflag:$0x5], $0xD00, $0x38;
	[tilespmem:$0x1A100] =	vst v63  }
.LBB2_4:
0x145: {  	s11 =	simm.s32 @!p1 $0x5  }
0x146: {  	[hbm4b:s10+s5] =	stream.linear.scatter [tilespmem:s30], [sflag:$0x5], $0xD00, $0x38;
	[tilespmem:$0x1A100] =	vst v63  }
0x147: {  	_ =	swait.ge @!p1 [sflag:s11], $0x6800  }
0x148: {  	s10 =	sshra.s32 s8, $0x2;
	[sflag:s11] =	ssyncset.done @!p1 $0x0  }
0x149: {  	s7 =	sadd.s32 $0x2400, s10;
	[sflag:s11] =	ssyncadd.s32 @!p1 $0xFFFF9800  }
0x14a: {  	[tilespmem:s14], [sflag:$0x3] =	stream.indirect.gather [spmem:s4], $0x80, s7, s19, $0xb8;
	[tilespmem:$0x1A100] =	vst v63  }
0x14b: {  	s18 =	sadd.s32 $0x2480, s10  }
0x14c: {  	[tilespmem:s16], [sflag:$0x3] =	stream.indirect.gather [spmem:s4], $0x80, s18, s19, $0xb8;
	[tilespmem:$0x1A100] =	vst v63  }
0x14d: {  	s22 =	sadd.s32 $0x2500, s10  }
0x14e: {  	[tilespmem:s17], [sflag:$0x3] =	stream.indirect.gather [spmem:s4], $0x80, s22, s19, $0xb8;
	[tilespmem:$0x1A100] =	vst v63  }
0x14f: {  	s24 =	sadd.s32 $0x2580, s10  }
0x150: {  	[tilespmem:s21], [sflag:$0x3] =	stream.indirect.gather [spmem:s4], $0x80, s24, s19, $0xb8;
	[tilespmem:$0x1A100] =	vst v63  }
0x151: {  	s6 =	sadd.s32 $0x2600, s10  }
0x152: {  	[tilespmem:s23], [sflag:$0x3] =	stream.indirect.gather [spmem:s4], $0x80, s6, s19, $0xb8;
	[tilespmem:$0x1A100] =	vst v63  }
0x153: {  	s7 =	sadd.s32 $0x2680, s10  }
0x154: {  	[tilespmem:s25], [sflag:$0x3] =	stream.indirect.gather [spmem:s4], $0x80, s7, s19, $0xb8;
	[tilespmem:$0x1A100] =	vst v63  }
0x155: {  	s18 =	sadd.s32 $0x2700, s10  }
0x156: {  	[tilespmem:s28], [sflag:$0x3] =	stream.indirect.gather [spmem:s4], $0x80, s18, s19, $0xb8;
	[tilespmem:$0x1A100] =	vst v63  }
0x157: {  	s10 =	sadd.s32 $0x2780, s10  }
0x158: {  	[tilespmem:s30], [sflag:$0x3] =	stream.indirect.gather [spmem:s4], $0x80, s10, s19, $0xb8;
	[tilespmem:$0x1A100] =	vst v63  }
0x159: {  	_ =	swait.ge [sflag:s0], $0xD00  }
0x15a: {  	[sflag:s0] =	ssyncset.done $0x0  }
0x15b: {  	[sflag:s0] =	ssyncadd.s32 $0xFFFFF300  }
0x15c: {  	_ =	swait.ge [sflag:s0], $0xD00  }
0x15d: {  	[sflag:s0] =	ssyncset.done $0x0  }
0x15e: {  	[sflag:s0] =	ssyncadd.s32 $0xFFFFF300  }
0x15f: {  	_ =	swait.ge [sflag:s0], $0xD00  }
0x160: {  	[sflag:s0] =	ssyncset.done $0x0  }
0x161: {  	[sflag:s0] =	ssyncadd.s32 $0xFFFFF300  }
0x162: {  	_ =	swait.ge [sflag:s0], $0xD00  }
0x163: {  	[sflag:s0] =	ssyncset.done $0x0  }
0x164: {  	[sflag:s0] =	ssyncadd.s32 $0xFFFFF300  }
0x165: {  	_ =	swait.ge [sflag:s0], $0xD00  }
0x166: {  	[sflag:s0] =	ssyncset.done $0x0  }
0x167: {  	[sflag:s0] =	ssyncadd.s32 $0xFFFFF300  }
0x168: {  	_ =	swait.ge [sflag:s0], $0xD00  }
0x169: {  	[sflag:s0] =	ssyncset.done $0x0  }
0x16a: {  	[sflag:s0] =	ssyncadd.s32 $0xFFFFF300  }
0x16b: {  	_ =	swait.ge [sflag:s0], $0xD00  }
0x16c: {  	[sflag:s0] =	ssyncset.done $0x0  }
0x16d: {  	[sflag:s0] =	ssyncadd.s32 $0xFFFFF300  }
0x16e: {  	_ =	swait.ge [sflag:s0], $0xD00  }
0x16f: {  	s22 =	rddreg [dreg:$0x7];
	[sflag:s0] =	ssyncset.done $0x0  }
0x170: {  	[sflag:s0] =	ssyncadd.s32 $0xFFFFF300;
	s11 =	sadd.s32 s8, s22  }
0x171: {  	[hbm4b:s11+s5] =	stream.linear.scatter [tilespmem:s13], [sflag:$0x4], $0xD00, $0x38;
	[tilespmem:$0x1A100] =	vst v63  }
0x172: {  	s18 =	sadd.s32 $0x200, s11  }
0x173: {  	[hbm4b:s18+s5] =	stream.linear.scatter [tilespmem:s15], [sflag:$0x4], $0xD00, $0x38;
	[tilespmem:$0x1A100] =	vst v63  }
0x174: {  	s24 =	sadd.s32 $0x400, s11  }
0x175: {  	[hbm4b:s24+s5] =	stream.linear.scatter [tilespmem:s20], [sflag:$0x4], $0xD00, $0x38;
	[tilespmem:$0x1A100] =	vst v63  }
0x176: {  	s6 =	sadd.s32 $0x600, s11  }
0x177: {  	[hbm4b:s6+s5] =	stream.linear.scatter [tilespmem:s26], [sflag:$0x4], $0xD00, $0x38;
	[tilespmem:$0x1A100] =	vst v63  }
0x178: {  	s7 =	sadd.s32 $0x800, s11  }
0x179: {  	[hbm4b:s7+s5] =	stream.linear.scatter [tilespmem:s29], [sflag:$0x4], $0xD00, $0x38;
	[tilespmem:$0x1A100] =	vst v63  }
0x17a: {  	p3 =	seq.s32 s9, $0x0;
	s13 =	sadd.s32 $0xA00, s11  }
0x17b: {  	[hbm4b:s13+s5] =	stream.linear.scatter [tilespmem:s31], [sflag:$0x4], $0xD00, $0x38;
	[tilespmem:$0x1A100] =	vst v63  }
0x17c: {  	p1 =	por p3, p3;
	p3 =	seq.s32 s8, $0xE000;
	s15 =	sadd.s32 $0xC00, s11  }
0x17d: {  	[hbm4b:s15+s5] =	stream.linear.scatter [tilespmem:s3], [sflag:$0x4], $0xD00, $0x38;
	[tilespmem:$0x1A100] =	vst v63  }
0x17e: {  	s18 =	simm.s32 @!p3 $0x4;
	s20 =	sadd.s32 $0xE00, s11  }
0x17f: {  	[hbm4b:s20+s5] =	stream.linear.scatter [tilespmem:s2], [sflag:$0x4], $0xD00, $0x38;
	[tilespmem:$0x1A100] =	vst v63  }
0x180: {  	s12 =	smov.u32 s9;
	s7 =	simm.s32 @!p3 $0xA100;
	_ =	swait.ge @!p3 [sflag:s18], $0x6800  }
0x181: {  	s13 =	sshra.s32 @!p3 s8, $0x2;
	s8 =	smov.u32 s12;
	[sflag:s18] =	ssyncset.done @!p3 $0x0  }
0x182: {  	s12 =	sadd.s32 @!p3 $0x2800, s13;
	s15 =	simm.s32 @!p3 $0x1A;
	[sflag:s18] =	ssyncadd.s32 @!p3 $0xFFFF9800  }
0x183: {  	[tilespmem:s7], [sflag:$0x2] =	stream.indirect.gather @!p3 [spmem:s4], $0x80, s12, s15, $0xb8;
	[tilespmem:$0x1A100] =	vst v63  }
0x184: {  	s6 =	sadd.s32 @!p3 $0x2880, s13;
	s18 =	simm.s32 @!p3 $0xB100  }
0x185: {  	[tilespmem:s18], [sflag:$0x2] =	stream.indirect.gather @!p3 [spmem:s4], $0x80, s6, s15, $0xb8;
	[tilespmem:$0x1A100] =	vst v63  }
0x186: {  	s20 =	sadd.s32 @!p3 $0x2900, s13;
	s7 =	simm.s32 @!p3 $0xC100  }
0x187: {  	[tilespmem:s7], [sflag:$0x2] =	stream.indirect.gather @!p3 [spmem:s4], $0x80, s20, s15, $0xb8;
	[tilespmem:$0x1A100] =	vst v63  }
0x188: {  	s12 =	sadd.s32 @!p3 $0x2980, s13;
	s6 =	simm.s32 @!p3 $0xD100  }
0x189: {  	[tilespmem:s6], [sflag:$0x2] =	stream.indirect.gather @!p3 [spmem:s4], $0x80, s12, s15, $0xb8;
	[tilespmem:$0x1A100] =	vst v63  }
0x18a: {  	s22 =	sadd.s32 @!p3 $0x2A00, s13;
	s7 =	simm.s32 @!p3 $0xE100  }
0x18b: {  	[tilespmem:s7], [sflag:$0x2] =	stream.indirect.gather @!p3 [spmem:s4], $0x80, s22, s15, $0xb8;
	[tilespmem:$0x1A100] =	vst v63  }
0x18c: {  	s18 =	sadd.s32 @!p3 $0x2A80, s13;
	s6 =	simm.s32 @!p3 $0xF100  }
0x18d: {  	[tilespmem:s6], [sflag:$0x2] =	stream.indirect.gather @!p3 [spmem:s4], $0x80, s18, s15, $0xb8;
	[tilespmem:$0x1A100] =	vst v63  }
0x18e: {  	s24 =	sadd.s32 @!p3 $0x2B00, s13;
	s7 =	simm.s32 @!p3 $0x10100  }
0x18f: {  	[tilespmem:s7], [sflag:$0x2] =	stream.indirect.gather @!p3 [spmem:s4], $0x80, s24, s15, $0xb8;
	[tilespmem:$0x1A100] =	vst v63  }
0x190: {  	s13 =	sadd.s32 @!p3 $0x2B80, s13;
	s6 =	simm.s32 @!p3 $0x11100  }
0x191: {  	[tilespmem:s6], [sflag:$0x2] =	stream.indirect.gather @!p3 [spmem:s4], $0x80, s13, s15, $0xb8;
	[tilespmem:$0x1A100] =	vst v63  }
0x192: {  	_ =	swait.ge [sflag:s1], $0xD00  }
0x193: {  	[sflag:s1] =	ssyncset.done $0x0  }
0x194: {  	[sflag:s1] =	ssyncadd.s32 $0xFFFFF300  }
0x195: {  	_ =	swait.ge [sflag:s1], $0xD00  }
0x196: {  	[sflag:s1] =	ssyncset.done $0x0  }
0x197: {  	[sflag:s1] =	ssyncadd.s32 $0xFFFFF300  }
0x198: {  	_ =	swait.ge [sflag:s1], $0xD00  }
0x199: {  	[sflag:s1] =	ssyncset.done $0x0  }
0x19a: {  	[sflag:s1] =	ssyncadd.s32 $0xFFFFF300  }
0x19b: {  	_ =	swait.ge [sflag:s1], $0xD00  }
0x19c: {  	[sflag:s1] =	ssyncset.done $0x0  }
0x19d: {  	[sflag:s1] =	ssyncadd.s32 $0xFFFFF300  }
0x19e: {  	_ =	swait.ge [sflag:s1], $0xD00  }
0x19f: {  	[sflag:s1] =	ssyncset.done $0x0  }
0x1a0: {  	[sflag:s1] =	ssyncadd.s32 $0xFFFFF300  }
0x1a1: {  	_ =	swait.ge [sflag:s1], $0xD00  }
0x1a2: {  	[sflag:s1] =	ssyncset.done $0x0  }
0x1a3: {  	[sflag:s1] =	ssyncadd.s32 $0xFFFFF300  }
0x1a4: {  	_ =	swait.ge [sflag:s1], $0xD00  }
0x1a5: {  	[sflag:s1] =	ssyncset.done $0x0  }
0x1a6: {  	[sflag:s1] =	ssyncadd.s32 $0xFFFFF300  }
0x1a7: {  	_ =	swait.ge [sflag:s1], $0xD00  }
0x1a8: {  	[sflag:s1] =	ssyncset.done $0x0  }
0x1a9: {  	s22 =	sadd.s32 $0x1000, s11;
	[sflag:s1] =	ssyncadd.s32 $0xFFFFF300  }
0x1aa: {  	[hbm4b:s22+s5] =	stream.linear.scatter [tilespmem:s14], [sflag:$0x5], $0xD00, $0x38;
	[tilespmem:$0x1A100] =	vst v63  }
0x1ab: {  	s24 =	sadd.s32 $0x1200, s11  }
0x1ac: {  	[hbm4b:s24+s5] =	stream.linear.scatter [tilespmem:s16], [sflag:$0x5], $0xD00, $0x38;
	[tilespmem:$0x1A100] =	vst v63  }
0x1ad: {  	s7 =	sadd.s32 $0x1400, s11  }
0x1ae: {  	[hbm4b:s7+s5] =	stream.linear.scatter [tilespmem:s17], [sflag:$0x5], $0xD00, $0x38;
	[tilespmem:$0x1A100] =	vst v63  }
0x1af: {  	s9 =	sadd.s32 $0x2000, s9;
	s12 =	sadd.s32 $0x1600, s11  }
0x1b0: {  	[hbm4b:s12+s5] =	stream.linear.scatter [tilespmem:s21], [sflag:$0x5], $0xD00, $0x38;
	[tilespmem:$0x1A100] =	vst v63  }
0x1b1: {  	p2 =	sne.s32 s9, $0x10000;
	s18 =	sadd.s32 $0x1800, s11  }
0x1b2: {  	[hbm4b:s18+s5] =	stream.linear.scatter [tilespmem:s23], [sflag:$0x5], $0xD00, $0x38;
	[tilespmem:$0x1A100] =	vst v63  }
.Ltmp1:
0x1b3: {  	_ = 	snop;
	(pc) =	sbr.rel @p2 .LBB2_4-.Ltmp1, $4  }
0x1b4: {  	s10 =	sadd.s32 $0x1E00, s11;
	s20 =	simm.s32 $0xC100;
	s22 =	sadd.s32 $0x1A00, s11  }
0x1b5: {  	[hbm4b:s22+s5] =	stream.linear.scatter [tilespmem:s25], [sflag:$0x5], $0xD00, $0x38;
	[tilespmem:$0x1A100] =	vst v63  }
0x1b6: {  	s15 =	simm.s32 $0xB100;
	s13 =	simm.s32 $0xA100;
	s24 =	sadd.s32 $0x1C00, s11  }
0x1b7: {  	[hbm4b:s24+s5] =	stream.linear.scatter [tilespmem:s28], [sflag:$0x5], $0xD00, $0x38;
	[tilespmem:$0x1A100] =	vst v63  }
0x1b8: {  	s6 =	simm.s32 @!p1 $0x5  }
0x1b9: {  	[hbm4b:s10+s5] =	stream.linear.scatter [tilespmem:s30], [sflag:$0x5], $0xD00, $0x38;
	[tilespmem:$0x1A100] =	vst v63  }
0x1ba: {  	_ =	swait.ge @!p1 [sflag:s6], $0x6800  }
0x1bb: {  	s7 =	sshra.s32 s8, $0x2;
	[sflag:s6] =	ssyncset.done @!p1 $0x0  }
0x1bc: {  	s11 =	sadd.s32 $0x2400, s7;
	[sflag:s6] =	ssyncadd.s32 @!p1 $0xFFFF9800  }
0x1bd: {  	[tilespmem:s14], [sflag:$0x3] =	stream.indirect.gather [spmem:s4], $0x80, s11, s19, $0xb8;
	[tilespmem:$0x1A100] =	vst v63  }
0x1be: {  	s12 =	sadd.s32 $0x2480, s7  }
0x1bf: {  	[tilespmem:s16], [sflag:$0x3] =	stream.indirect.gather [spmem:s4], $0x80, s12, s19, $0xb8;
	[tilespmem:$0x1A100] =	vst v63  }
0x1c0: {  	s18 =	sadd.s32 $0x2500, s7  }
0x1c1: {  	[tilespmem:s17], [sflag:$0x3] =	stream.indirect.gather [spmem:s4], $0x80, s18, s19, $0xb8;
	[tilespmem:$0x1A100] =	vst v63  }
0x1c2: {  	s22 =	sadd.s32 $0x2580, s7  }
0x1c3: {  	[tilespmem:s21], [sflag:$0x3] =	stream.indirect.gather [spmem:s4], $0x80, s22, s19, $0xb8;
	[tilespmem:$0x1A100] =	vst v63  }
0x1c4: {  	s24 =	sadd.s32 $0x2600, s7  }
0x1c5: {  	[tilespmem:s23], [sflag:$0x3] =	stream.indirect.gather [spmem:s4], $0x80, s24, s19, $0xb8;
	[tilespmem:$0x1A100] =	vst v63  }
0x1c6: {  	s9 =	sadd.s32 $0x2680, s7  }
0x1c7: {  	[tilespmem:s25], [sflag:$0x3] =	stream.indirect.gather [spmem:s4], $0x80, s9, s19, $0xb8;
	[tilespmem:$0x1A100] =	vst v63  }
0x1c8: {  	s10 =	sadd.s32 $0x2700, s7  }
0x1c9: {  	[tilespmem:s28], [sflag:$0x3] =	stream.indirect.gather [spmem:s4], $0x80, s10, s19, $0xb8;
	[tilespmem:$0x1A100] =	vst v63  }
0x1ca: {  	s11 =	sadd.s32 $0x2780, s7  }
0x1cb: {  	[tilespmem:s30], [sflag:$0x3] =	stream.indirect.gather [spmem:s4], $0x80, s11, s19, $0xb8;
	[tilespmem:$0x1A100] =	vst v63  }
0x1cc: {  	_ =	swait.ge [sflag:s0], $0xD00  }
0x1cd: {  	[sflag:s0] =	ssyncset.done $0x0  }
0x1ce: {  	[sflag:s0] =	ssyncadd.s32 $0xFFFFF300  }
0x1cf: {  	_ =	swait.ge [sflag:s0], $0xD00  }
0x1d0: {  	[sflag:s0] =	ssyncset.done $0x0  }
0x1d1: {  	[sflag:s0] =	ssyncadd.s32 $0xFFFFF300  }
0x1d2: {  	_ =	swait.ge [sflag:s0], $0xD00  }
0x1d3: {  	[sflag:s0] =	ssyncset.done $0x0  }
0x1d4: {  	[sflag:s0] =	ssyncadd.s32 $0xFFFFF300  }
0x1d5: {  	_ =	swait.ge [sflag:s0], $0xD00  }
0x1d6: {  	[sflag:s0] =	ssyncset.done $0x0  }
0x1d7: {  	[sflag:s0] =	ssyncadd.s32 $0xFFFFF300  }
0x1d8: {  	_ =	swait.ge [sflag:s0], $0xD00  }
0x1d9: {  	[sflag:s0] =	ssyncset.done $0x0  }
0x1da: {  	[sflag:s0] =	ssyncadd.s32 $0xFFFFF300  }
0x1db: {  	_ =	swait.ge [sflag:s0], $0xD00  }
0x1dc: {  	[sflag:s0] =	ssyncset.done $0x0  }
0x1dd: {  	[sflag:s0] =	ssyncadd.s32 $0xFFFFF300  }
0x1de: {  	_ =	swait.ge [sflag:s0], $0xD00  }
0x1df: {  	[sflag:s0] =	ssyncset.done $0x0  }
0x1e0: {  	[sflag:s0] =	ssyncadd.s32 $0xFFFFF300  }
0x1e1: {  	_ =	swait.ge [sflag:s0], $0xD00  }
0x1e2: {  	s12 =	rddreg [dreg:$0x7];
	[sflag:s0] =	ssyncset.done $0x0  }
0x1e3: {  	[sflag:s0] =	ssyncadd.s32 $0xFFFFF300;
	s9 =	sadd.s32 s8, s12  }
0x1e4: {  	[hbm4b:s9+s5] =	stream.linear.scatter [tilespmem:s13], [sflag:$0x4], $0xD00, $0x38;
	[tilespmem:$0x1A100] =	vst v63  }
0x1e5: {  	s6 =	sadd.s32 $0x200, s9  }
0x1e6: {  	[hbm4b:s6+s5] =	stream.linear.scatter [tilespmem:s15], [sflag:$0x4], $0xD00, $0x38;
	[tilespmem:$0x1A100] =	vst v63  }
0x1e7: {  	s18 =	sadd.s32 $0x400, s9  }
0x1e8: {  	[hbm4b:s18+s5] =	stream.linear.scatter [tilespmem:s20], [sflag:$0x4], $0xD00, $0x38;
	[tilespmem:$0x1A100] =	vst v63  }
0x1e9: {  	s22 =	sadd.s32 $0x600, s9  }
0x1ea: {  	[hbm4b:s22+s5] =	stream.linear.scatter [tilespmem:s26], [sflag:$0x4], $0xD00, $0x38;
	[tilespmem:$0x1A100] =	vst v63  }
0x1eb: {  	s24 =	sadd.s32 $0x800, s9  }
0x1ec: {  	[hbm4b:s24+s5] =	stream.linear.scatter [tilespmem:s29], [sflag:$0x4], $0xD00, $0x38;
	[tilespmem:$0x1A100] =	vst v63  }
0x1ed: {  	s7 =	sadd.s32 $0xA00, s9  }
0x1ee: {  	[hbm4b:s7+s5] =	stream.linear.scatter [tilespmem:s31], [sflag:$0x4], $0xD00, $0x38;
	[tilespmem:$0x1A100] =	vst v63  }
0x1ef: {  	p1 =	seq.s32 s8, $0xE000;
	s10 =	sadd.s32 $0xC00, s9  }
0x1f0: {  	[hbm4b:s10+s5] =	stream.linear.scatter [tilespmem:s3], [sflag:$0x4], $0xD00, $0x38;
	[tilespmem:$0x1A100] =	vst v63  }
0x1f1: {  	s11 =	sadd.s32 $0xE00, s9;
	s6 =	simm.s32 @!p1 $0x4  }
0x1f2: {  	[hbm4b:s11+s5] =	stream.linear.scatter [tilespmem:s2], [sflag:$0x4], $0xD00, $0x38;
	[tilespmem:$0x1A100] =	vst v63  }
0x1f3: {  	s7 =	sshra.s32 @!p1 s8, $0x2;
	_ =	swait.ge @!p1 [sflag:s6], $0x6800  }
0x1f4: {  	s8 =	sadd.s32 @!p1 $0x2800, s7;
	[sflag:s6] =	ssyncset.done @!p1 $0x0  }
0x1f5: {  	s10 =	simm.s32 @!p1 $0x1A;
	[sflag:s6] =	ssyncadd.s32 @!p1 $0xFFFF9800;
	s6 =	simm.s32 @!p1 $0xA100  }
0x1f6: {  	[tilespmem:s6], [sflag:$0x2] =	stream.indirect.gather @!p1 [spmem:s4], $0x80, s8, s10, $0xb8;
	[tilespmem:$0x1A100] =	vst v63  }
0x1f7: {  	s6 =	sadd.s32 @!p1 $0x2880, s7;
	s8 =	simm.s32 @!p1 $0xB100  }
0x1f8: {  	[tilespmem:s8], [sflag:$0x2] =	stream.indirect.gather @!p1 [spmem:s4], $0x80, s6, s10, $0xb8;
	[tilespmem:$0x1A100] =	vst v63  }
0x1f9: {  	s6 =	sadd.s32 @!p1 $0x2900, s7;
	s8 =	simm.s32 @!p1 $0xC100  }
0x1fa: {  	[tilespmem:s8], [sflag:$0x2] =	stream.indirect.gather @!p1 [spmem:s4], $0x80, s6, s10, $0xb8;
	[tilespmem:$0x1A100] =	vst v63  }
0x1fb: {  	s6 =	sadd.s32 @!p1 $0x2980, s7;
	s8 =	simm.s32 @!p1 $0xD100  }
0x1fc: {  	[tilespmem:s8], [sflag:$0x2] =	stream.indirect.gather @!p1 [spmem:s4], $0x80, s6, s10, $0xb8;
	[tilespmem:$0x1A100] =	vst v63  }
0x1fd: {  	s6 =	sadd.s32 @!p1 $0x2A00, s7;
	s8 =	simm.s32 @!p1 $0xE100  }
0x1fe: {  	[tilespmem:s8], [sflag:$0x2] =	stream.indirect.gather @!p1 [spmem:s4], $0x80, s6, s10, $0xb8;
	[tilespmem:$0x1A100] =	vst v63  }
0x1ff: {  	s6 =	sadd.s32 @!p1 $0x2A80, s7;
	s8 =	simm.s32 @!p1 $0xF100  }
0x200: {  	[tilespmem:s8], [sflag:$0x2] =	stream.indirect.gather @!p1 [spmem:s4], $0x80, s6, s10, $0xb8;
	[tilespmem:$0x1A100] =	vst v63  }
0x201: {  	s6 =	sadd.s32 @!p1 $0x2B00, s7;
	s8 =	simm.s32 @!p1 $0x10100  }
0x202: {  	[tilespmem:s8], [sflag:$0x2] =	stream.indirect.gather @!p1 [spmem:s4], $0x80, s6, s10, $0xb8;
	[tilespmem:$0x1A100] =	vst v63  }
0x203: {  	s6 =	sadd.s32 @!p1 $0x2B80, s7;
	s7 =	simm.s32 @!p1 $0x11100  }
0x204: {  	[tilespmem:s7], [sflag:$0x2] =	stream.indirect.gather @!p1 [spmem:s4], $0x80, s6, s10, $0xb8;
	[tilespmem:$0x1A100] =	vst v63  }
0x205: {  	_ =	swait.ge [sflag:s1], $0xD00  }
0x206: {  	[sflag:s1] =	ssyncset.done $0x0  }
0x207: {  	[sflag:s1] =	ssyncadd.s32 $0xFFFFF300  }
0x208: {  	_ =	swait.ge [sflag:s1], $0xD00  }
0x209: {  	[sflag:s1] =	ssyncset.done $0x0  }
0x20a: {  	[sflag:s1] =	ssyncadd.s32 $0xFFFFF300  }
0x20b: {  	_ =	swait.ge [sflag:s1], $0xD00  }
0x20c: {  	[sflag:s1] =	ssyncset.done $0x0  }
0x20d: {  	[sflag:s1] =	ssyncadd.s32 $0xFFFFF300  }
0x20e: {  	_ =	swait.ge [sflag:s1], $0xD00  }
0x20f: {  	[sflag:s1] =	ssyncset.done $0x0  }
0x210: {  	[sflag:s1] =	ssyncadd.s32 $0xFFFFF300  }
0x211: {  	_ =	swait.ge [sflag:s1], $0xD00  }
0x212: {  	[sflag:s1] =	ssyncset.done $0x0  }
0x213: {  	[sflag:s1] =	ssyncadd.s32 $0xFFFFF300  }
0x214: {  	_ =	swait.ge [sflag:s1], $0xD00  }
0x215: {  	[sflag:s1] =	ssyncset.done $0x0  }
0x216: {  	[sflag:s1] =	ssyncadd.s32 $0xFFFFF300  }
0x217: {  	_ =	swait.ge [sflag:s1], $0xD00  }
0x218: {  	[sflag:s1] =	ssyncset.done $0x0  }
0x219: {  	[sflag:s1] =	ssyncadd.s32 $0xFFFFF300  }
0x21a: {  	_ =	swait.ge [sflag:s1], $0xD00  }
0x21b: {  	[sflag:s1] =	ssyncset.done $0x0  }
0x21c: {  	s12 =	sadd.s32 $0x1000, s9;
	[sflag:s1] =	ssyncadd.s32 $0xFFFFF300  }
0x21d: {  	[hbm4b:s12+s5] =	stream.linear.scatter [tilespmem:s14], [sflag:$0x5], $0xD00, $0x38;
	[tilespmem:$0x1A100] =	vst v63  }
0x21e: {  	s18 =	sadd.s32 $0x1200, s9  }
0x21f: {  	[hbm4b:s18+s5] =	stream.linear.scatter [tilespmem:s16], [sflag:$0x5], $0xD00, $0x38;
	[tilespmem:$0x1A100] =	vst v63  }
0x220: {  	s22 =	sadd.s32 $0x1400, s9  }
0x221: {  	[hbm4b:s22+s5] =	stream.linear.scatter [tilespmem:s17], [sflag:$0x5], $0xD00, $0x38;
	[tilespmem:$0x1A100] =	vst v63  }
0x222: {  	s24 =	sadd.s32 $0x1600, s9  }
0x223: {  	[hbm4b:s24+s5] =	stream.linear.scatter [tilespmem:s21], [sflag:$0x5], $0xD00, $0x38;
	[tilespmem:$0x1A100] =	vst v63  }
0x224: {  	s7 =	sadd.s32 $0x1800, s9  }
0x225: {  	[hbm4b:s7+s5] =	stream.linear.scatter [tilespmem:s23], [sflag:$0x5], $0xD00, $0x38;
	[tilespmem:$0x1A100] =	vst v63  }
0x226: {  	s8 =	sadd.s32 $0x1A00, s9  }
0x227: {  	[hbm4b:s8+s5] =	stream.linear.scatter [tilespmem:s25], [sflag:$0x5], $0xD00, $0x38;
	[tilespmem:$0x1A100] =	vst v63  }
0x228: {  	s10 =	sadd.s32 $0x1C00, s9  }
0x229: {  	[hbm4b:s10+s5] =	stream.linear.scatter [tilespmem:s28], [sflag:$0x5], $0xD00, $0x38;
	[tilespmem:$0x1A100] =	vst v63  }
0x22a: {  	s11 =	sadd.s32 $0x1E00, s9;
	s12 =	simm.s32 $0x4  }
0x22b: {  	[hbm4b:s11+s5] =	stream.linear.scatter [tilespmem:s30], [sflag:$0x5], $0xD00, $0x38;
	[tilespmem:$0x1A100] =	vst v63  }
0x22c: {  	_ =	swait.ge [sflag:s12], $0x6800  }
0x22d: {  	[sflag:s12] =	ssyncset.done $0x0  }
0x22e: {  	s18 =	simm.s32 $0x5;
	[sflag:s12] =	ssyncadd.s32 $0xFFFF9800  }
0x22f: {  	_ =	swait.ge [sflag:s18], $0x6800  }
0x230: {  	s22 =	rddreg [dreg:$0xf]  }
0x231: {  	s24 =	rddreg [dreg:$0xe];
	s8 =	sadd.s32 $0x1, s22  }
0x232: {  	p1 =	sne.s32 s8, s24  }
.Ltmp2:
0x233: {  	_ = 	snop;
	(pc) =	sbr.rel @p1 .LBB2_1-.Ltmp2, $3  }
0x234: {  	_ =	sdelay $0x1  }
0x235: {  	[sflag:s18] =	ssyncset.done $0x0  }
0x236: {  	s7 =	simm.s32 $0x2000;
	s11 =	simm.s32 $0x6;
	[sflag:s18] =	ssyncadd.s32 $0xFFFF9800  }
0x237: {  	_ =	sfence.sel $0x180000  }
0x238: {  	[bflag:$0x0] =	sbarrier.arrive $0xFFFF  }
0x239: {  	_ =	strace $0x90000047  }
0x23a: {  	s0 =	stileid.u32;
	[bflag:$0x2] =	sbarrier.arrive $0xFFFF  }
0x23b: {  	p0 =	sne.s32 s0, $0x0;
	s0 =	rddreg [dreg:$0x6]  }
0x23c: {  	s0 =	sadd.s32 @!p0 $0x100000, s0  }
0x23d: {  	[sflag:s0] =	ssyncadd.tile.s32 @!p0 $0x1;
	_ =	shalt  }
.Lfunc_end2:
_tile_overlayer_lowered:
.L_overlay_start_2:
0x23e: {  	(tag) =	ssettag $0x2  }
0x23f: {  	s0 =	rddreg [dreg:$0x0];
	s2 =	stileid.u32  }
0x240: {  	s1 =	rddreg [dreg:$0x1];
	p0 =	sne.s32 s2, $0x0  }
0x241: {  	s3 =	rddreg [dreg:$0x2];
	[bflag:$0x3] =	sbarrier.arrive $0xFFFF;
	s2 =	simm.s32 @!p0 $0x1C06  }
0x242: {  	[timem:s3], [sflag:s2] =	dma.local @!p0 [hbm:s0], s1  }
0x243: {  	s0 =	simm.s32 @!p0 $0x6  }
0x244: {  	_ =	swait.ge @!p0 [sflag:s0], s1  }
0x245: {  	s1 =	ssub.s32 @!p0 $0x0, s1;
	[sflag:s0] =	ssyncset.done @!p0 $0x0  }
0x246: {  	[sflag:s0] =	ssyncadd.s32 @!p0 s1  }
0x247: {  	[bflag:$0x3] =	sbarrier.arrive $0xFFFF  }
0x248: {  	_ =	shalt  }

</sc_bundles>
